<compile_context>
chip_gen: v7x
topology: tpu7x:2x2x1
jax: 0.10.2.dev20260603
libtpu: 0.0.44.dev20260713+nightly
codegen_flags: <defaults>
</compile_context>

<pallas_src>
import functools

import jax
import jax.numpy as jnp
from jax import lax
from jax.experimental import pallas as pl
from jax.experimental.pallas import tpu as pltpu
from jax.experimental.pallas import tpu_sc as plsc

NC = 2
NS = 16
NW = NC * NS

IDX_MINOR = 128
SUB = 4
CHUNK = IDX_MINOR * SUB


def _make_gather(n_rows: int, dim: int):
  assert n_rows % (NW * 2 * CHUNK) == 0
  rows_per_w = n_rows // NW
  chunks_per_w = rows_per_w // CHUNK
  idx_rows_per_w = rows_per_w // IDX_MINOR
  n2 = chunks_per_w // 2 - 1

  mesh = plsc.VectorSubcoreMesh(
      core_axis_name="c", subcore_axis_name="s",
      num_cores=NC, num_subcores=NS)

  @functools.partial(
      pl.kernel,
      mesh=mesh,
      out_type=jax.ShapeDtypeStruct((n_rows, dim), jnp.float32),
      scratch_types=[
          pltpu.VMEM((idx_rows_per_w, IDX_MINOR), jnp.int32),
          pltpu.VMEM((CHUNK, dim), jnp.float32),
          pltpu.VMEM((CHUNK, dim), jnp.float32),
          pltpu.SemaphoreType.DMA,
          pltpu.SemaphoreType.DMA,
          pltpu.SemaphoreType.DMA,
          pltpu.SemaphoreType.DMA,
      ],
      compiler_params=pltpu.CompilerParams(use_tc_tiling_on_sc=False),
  )
  def gather(idx_hbm, table_hbm, out_hbm, idx_v, rows_a, rows_b,
             gsem_a, gsem_b, ssem_a, ssem_b):
    wid = lax.axis_index("s") * NC + lax.axis_index("c")
    row_base = wid * rows_per_w
    idx_row_base = wid * idx_rows_per_w

    pltpu.sync_copy(
        idx_hbm.at[pl.ds(idx_row_base, idx_rows_per_w)], idx_v)

    def fire_gathers(chunk, rows_v, sem):
      for j in range(SUB):
        pltpu.async_copy(
            table_hbm.at[idx_v.at[chunk * SUB + j]],
            rows_v.at[pl.ds(j * IDX_MINOR, IDX_MINOR)],
            sem,
        )

    def wait_gathers(rows_v, sem):
      pltpu.make_async_copy(table_hbm.at[pl.ds(0, CHUNK)], rows_v, sem).wait()

    def fire_store(chunk, rows_v, sem):
      pltpu.async_copy(
          rows_v, out_hbm.at[pl.ds(row_base + chunk * CHUNK, CHUNK)], sem)

    def wait_store(rows_v, sem):
      pltpu.make_async_copy(rows_v, out_hbm.at[pl.ds(0, CHUNK)], sem).wait()

    fire_gathers(0, rows_a, gsem_a)
    fire_gathers(1, rows_b, gsem_b)

    def body(i2, carry):
      c0 = 2 * i2
      wait_gathers(rows_a, gsem_a)
      fire_store(c0, rows_a, ssem_a)
      wait_gathers(rows_b, gsem_b)
      fire_store(c0 + 1, rows_b, ssem_b)
      wait_store(rows_a, ssem_a)
      fire_gathers(c0 + 2, rows_a, gsem_a)
      wait_store(rows_b, ssem_b)
      fire_gathers(c0 + 3, rows_b, gsem_b)
      return carry

    lax.fori_loop(0, n2, body, 0)

    c0 = 2 * n2
    wait_gathers(rows_a, gsem_a)
    fire_store(c0, rows_a, ssem_a)
    wait_gathers(rows_b, gsem_b)
    fire_store(c0 + 1, rows_b, ssem_b)
    wait_store(rows_a, ssem_a)
    wait_store(rows_b, ssem_b)

  return gather


def kernel(input, table):
  Bn, Ln = input.shape
  _, dim = table.shape
  n_rows = Bn * Ln
  idx = jnp.transpose(input, (1, 0)).reshape(n_rows // IDX_MINOR, IDX_MINOR)
  out = _make_gather(n_rows, dim)(idx, table)
  return out.reshape(Ln, Bn, dim)

# --- scband reference (transcript-rebuilt; emitter-appended) ---
"""Pipeline reference for scband-packed-sequence-73821897883802 (READ-ONLY COPY).

The authoritative reference and input builder live on the scoring server;
editing this copy changes nothing except your own understanding.
"""

import jax, jax.numpy as jnp
import numpy as np

VOCAB = 1000000
DIM = 64
B = 4096
L = 200


def setup_inputs(seed: int = 0) -> dict:
    key = jax.random.key(seed)
    k1, k2 = jax.random.split(key)
    input = jax.random.randint(k1, (B, L), 0, VOCAB, dtype=jnp.int32)
    table = jax.random.normal(k2, (VOCAB, DIM), dtype=jnp.float32)
    return {"input": input, "table": table}


def reference(input, table):
    # Faithful translation of PackedSequence.forward.
    # All sequences in the padded batch have equal length L, so
    # pad_sequences is an identity and the descending length-sort is a
    # stable argsort over constant lengths (identity permutation).
    Bn, Ln = input.shape
    lengths = jnp.full((Bn,), Ln, dtype=jnp.int32)
    # descending stable sort, mirroring torch.sort(..., descending=True)
    idx_sort = jnp.argsort(-lengths)
    idx_unsort = jnp.argsort(idx_sort)
    x_tt = jnp.take(input, idx_sort, axis=0)  # index_select(0, idx_sort)
    embedded = jnp.take(table, x_tt, axis=0)  # nn.Embedding lookup -> [B, L, D]
    embedded = jnp.transpose(embedded, (1, 0, 2))  # permute(1, 0, 2) -> [L, B, D]
    return embedded

if __name__ == "__main__":
    import jax
    _d = setup_inputs()
    print(jax.jit(kernel)(*tuple(_d.values())))

</pallas_src>

<mosaic_0001>
#map = affine_map<(d0, d1) -> (0, 0)>
module attributes {stable_mosaic.version = 14 : i64} {
  func.func @gather(%arg0: i32, %arg1: i32, %arg2: memref<6400x128xi32, #tpu.memory_space<hbm>>, %arg3: memref<1000000x64xf32, #tpu.memory_space<hbm>>, %arg4: memref<819200x64xf32, #tpu.memory_space<hbm>>, %arg5: memref<200x128xi32, #tpu.memory_space<vmem>>, %arg6: memref<512x64xf32, #tpu.memory_space<vmem>>, %arg7: memref<512x64xf32, #tpu.memory_space<vmem>>, %arg8: memref<!tpu.dma_semaphore, #tpu.memory_space<semaphore_mem>>, %arg9: memref<!tpu.dma_semaphore, #tpu.memory_space<semaphore_mem>>, %arg10: memref<!tpu.dma_semaphore, #tpu.memory_space<semaphore_mem>>, %arg11: memref<!tpu.dma_semaphore, #tpu.memory_space<semaphore_mem>>) attributes {dimension_semantics = [#tpu.dimension_semantics<core_parallel>, #tpu.dimension_semantics<subcore_parallel>], iteration_bounds = array<i64: 2, 16>, scalar_prefetch = 0 : i64, scratch_operands = 7 : i64, tpu.core_type = #tpu.core_type<sc_vector_subcore>, window_params = [{transform_indices = #map}, {transform_indices = #map}, {transform_indices = #map}]} {
    %mul3A = arith.constant 2 : i32
    %mul3A_0 = arith.muli %arg1, %mul3A : i32
    %add3A = arith.addi %mul3A_0, %arg0 : i32
    %mul3A_1 = arith.constant 25600 : i32
    %mul3A_2 = arith.muli %add3A, %mul3A_1 : i32
    %mul3A_3 = arith.constant 200 : i32
    %mul3A_4 = arith.muli %add3A, %mul3A_3 : i32
    "tpu.region"() ({
      %run_scoped3A = tpu.sem_alloc : memref<!tpu.dma_semaphore, #tpu.memory_space<semaphore_mem>>
      %dma_start3A_124 = arith.constant 0 : i32
      %dma_start3A_125 = tpu.memref_slice %arg2[%mul3A_4, %dma_start3A_124] : memref<6400x128xi32, #tpu.memory_space<hbm>> -> memref<200x128xi32, #tpu.memory_space<hbm>>
      %dma_start3A_126 = arith.constant 0 : i32
      %dma_start3A_127 = tpu.memref_slice %arg2[%mul3A_4, %dma_start3A_126] : memref<6400x128xi32, #tpu.memory_space<hbm>> -> memref<200x128xi32, #tpu.memory_space<hbm>>
      tpu.enqueue_dma source(%dma_start3A_127 : memref<200x128xi32, #tpu.memory_space<hbm>>) target(%arg5 : memref<200x128xi32, #tpu.memory_space<vmem>>) target_semaphore(%run_scoped3A : memref<!tpu.dma_semaphore, #tpu.memory_space<semaphore_mem>>)
      %dma_wait3A_128 = arith.constant 0 : i32
      %dma_wait3A_129 = tpu.memref_slice %arg2[%mul3A_4, %dma_wait3A_128] : memref<6400x128xi32, #tpu.memory_space<hbm>> -> memref<200x128xi32, #tpu.memory_space<hbm>>
      %dma_wait3A_130 = arith.constant 0 : i32
      %dma_wait3A_131 = tpu.memref_slice %arg2[%mul3A_4, %dma_wait3A_130] : memref<6400x128xi32, #tpu.memory_space<hbm>> -> memref<200x128xi32, #tpu.memory_space<hbm>>
      tpu.wait_dma2 semaphore(%run_scoped3A : memref<!tpu.dma_semaphore, #tpu.memory_space<semaphore_mem>>) src(%dma_wait3A_131 : memref<200x128xi32, #tpu.memory_space<hbm>>) dst(%arg5 : memref<200x128xi32, #tpu.memory_space<vmem>>)
      tpu.yield
    }) : () -> ()
    %dma_start3A = arith.constant 0 : i32
    %dma_start3A_5 = arith.constant 0 : i32
    %dma_start3A_6 = arith.constant 0 : i32
    %dma_start3A_7 = tpu.memref_slice %arg6[%dma_start3A_5, %dma_start3A_6] : memref<512x64xf32, #tpu.memory_space<vmem>> -> memref<128x64xf32, #tpu.memory_space<vmem>>
    %dma_start3A_8 = arith.constant 0 : i32
    %dma_start3A_9 = tpu.memref_slice %arg5[%dma_start3A, %dma_start3A_8] : memref<200x128xi32, #tpu.memory_space<vmem>> -> memref<1x128xi32, #tpu.memory_space<vmem>>
    %dma_start3A_10 = tpu.memref_squeeze %dma_start3A_9 : memref<1x128xi32, #tpu.memory_space<vmem>> -> memref<128xi32, #tpu.memory_space<vmem>>
    %dma_start3A_11 = arith.constant 0 : i32
    %dma_start3A_12 = arith.constant 0 : i32
    %dma_start3A_13 = tpu.memref_slice %arg3[%dma_start3A_11, %dma_start3A_12] : memref<1000000x64xf32, #tpu.memory_space<hbm>> -> memref<1000000x64xf32, #tpu.memory_space<hbm>>
    tpu.enqueue_indirect_dma source(%dma_start3A_13 : memref<1000000x64xf32, #tpu.memory_space<hbm>>) target(%dma_start3A_7 : memref<128x64xf32, #tpu.memory_space<vmem>>) offsets(%dma_start3A_10 : memref<128xi32, #tpu.memory_space<vmem>>) semaphore(%arg8 : memref<!tpu.dma_semaphore, #tpu.memory_space<semaphore_mem>>)
    %dma_start3A_14 = arith.constant 1 : i32
    %dma_start3A_15 = arith.constant 128 : i32
    %dma_start3A_16 = arith.constant 0 : i32
    %dma_start3A_17 = tpu.memref_slice %arg6[%dma_start3A_15, %dma_start3A_16] : memref<512x64xf32, #tpu.memory_space<vmem>> -> memref<128x64xf32, #tpu.memory_space<vmem>>
    %dma_start3A_18 = arith.constant 0 : i32
    %dma_start3A_19 = tpu.memref_slice %arg5[%dma_start3A_14, %dma_start3A_18] : memref<200x128xi32, #tpu.memory_space<vmem>> -> memref<1x128xi32, #tpu.memory_space<vmem>>
    %dma_start3A_20 = tpu.memref_squeeze %dma_start3A_19 : memref<1x128xi32, #tpu.memory_space<vmem>> -> memref<128xi32, #tpu.memory_space<vmem>>
    %dma_start3A_21 = arith.constant 0 : i32
    %dma_start3A_22 = arith.constant 0 : i32
    %dma_start3A_23 = tpu.memref_slice %arg3[%dma_start3A_21, %dma_start3A_22] : memref<1000000x64xf32, #tpu.memory_space<hbm>> -> memref<1000000x64xf32, #tpu.memory_space<hbm>>
    tpu.enqueue_indirect_dma source(%dma_start3A_23 : memref<1000000x64xf32, #tpu.memory_space<hbm>>) target(%dma_start3A_17 : memref<128x64xf32, #tpu.memory_space<vmem>>) offsets(%dma_start3A_20 : memref<128xi32, #tpu.memory_space<vmem>>) semaphore(%arg8 : memref<!tpu.dma_semaphore, #tpu.memory_space<semaphore_mem>>)
    %dma_start3A_24 = arith.constant 2 : i32
    %dma_start3A_25 = arith.constant 256 : i32
    %dma_start3A_26 = arith.constant 0 : i32
    %dma_start3A_27 = tpu.memref_slice %arg6[%dma_start3A_25, %dma_start3A_26] : memref<512x64xf32, #tpu.memory_space<vmem>> -> memref<128x64xf32, #tpu.memory_space<vmem>>
    %dma_start3A_28 = arith.constant 0 : i32
    %dma_start3A_29 = tpu.memref_slice %arg5[%dma_start3A_24, %dma_start3A_28] : memref<200x128xi32, #tpu.memory_space<vmem>> -> memref<1x128xi32, #tpu.memory_space<vmem>>
    %dma_start3A_30 = tpu.memref_squeeze %dma_start3A_29 : memref<1x128xi32, #tpu.memory_space<vmem>> -> memref<128xi32, #tpu.memory_space<vmem>>
    %dma_start3A_31 = arith.constant 0 : i32
    %dma_start3A_32 = arith.constant 0 : i32
    %dma_start3A_33 = tpu.memref_slice %arg3[%dma_start3A_31, %dma_start3A_32] : memref<1000000x64xf32, #tpu.memory_space<hbm>> -> memref<1000000x64xf32, #tpu.memory_space<hbm>>
    tpu.enqueue_indirect_dma source(%dma_start3A_33 : memref<1000000x64xf32, #tpu.memory_space<hbm>>) target(%dma_start3A_27 : memref<128x64xf32, #tpu.memory_space<vmem>>) offsets(%dma_start3A_30 : memref<128xi32, #tpu.memory_space<vmem>>) semaphore(%arg8 : memref<!tpu.dma_semaphore, #tpu.memory_space<semaphore_mem>>)
    %dma_start3A_34 = arith.constant 3 : i32
    %dma_start3A_35 = arith.constant 384 : i32
    %dma_start3A_36 = arith.constant 0 : i32
    %dma_start3A_37 = tpu.memref_slice %arg6[%dma_start3A_35, %dma_start3A_36] : memref<512x64xf32, #tpu.memory_space<vmem>> -> memref<128x64xf32, #tpu.memory_space<vmem>>
    %dma_start3A_38 = arith.constant 0 : i32
    %dma_start3A_39 = tpu.memref_slice %arg5[%dma_start3A_34, %dma_start3A_38] : memref<200x128xi32, #tpu.memory_space<vmem>> -> memref<1x128xi32, #tpu.memory_space<vmem>>
    %dma_start3A_40 = tpu.memref_squeeze %dma_start3A_39 : memref<1x128xi32, #tpu.memory_space<vmem>> -> memref<128xi32, #tpu.memory_space<vmem>>
    %dma_start3A_41 = arith.constant 0 : i32
    %dma_start3A_42 = arith.constant 0 : i32
    %dma_start3A_43 = tpu.memref_slice %arg3[%dma_start3A_41, %dma_start3A_42] : memref<1000000x64xf32, #tpu.memory_space<hbm>> -> memref<1000000x64xf32, #tpu.memory_space<hbm>>
    tpu.enqueue_indirect_dma source(%dma_start3A_43 : memref<1000000x64xf32, #tpu.memory_space<hbm>>) target(%dma_start3A_37 : memref<128x64xf32, #tpu.memory_space<vmem>>) offsets(%dma_start3A_40 : memref<128xi32, #tpu.memory_space<vmem>>) semaphore(%arg8 : memref<!tpu.dma_semaphore, #tpu.memory_space<semaphore_mem>>)
    %dma_start3A_44 = arith.constant 4 : i32
    %dma_start3A_45 = arith.constant 0 : i32
    %dma_start3A_46 = arith.constant 0 : i32
    %dma_start3A_47 = tpu.memref_slice %arg7[%dma_start3A_45, %dma_start3A_46] : memref<512x64xf32, #tpu.memory_space<vmem>> -> memref<128x64xf32, #tpu.memory_space<vmem>>
    %dma_start3A_48 = arith.constant 0 : i32
    %dma_start3A_49 = tpu.memref_slice %arg5[%dma_start3A_44, %dma_start3A_48] : memref<200x128xi32, #tpu.memory_space<vmem>> -> memref<1x128xi32, #tpu.memory_space<vmem>>
    %dma_start3A_50 = tpu.memref_squeeze %dma_start3A_49 : memref<1x128xi32, #tpu.memory_space<vmem>> -> memref<128xi32, #tpu.memory_space<vmem>>
    %dma_start3A_51 = arith.constant 0 : i32
    %dma_start3A_52 = arith.constant 0 : i32
    %dma_start3A_53 = tpu.memref_slice %arg3[%dma_start3A_51, %dma_start3A_52] : memref<1000000x64xf32, #tpu.memory_space<hbm>> -> memref<1000000x64xf32, #tpu.memory_space<hbm>>
    tpu.enqueue_indirect_dma source(%dma_start3A_53 : memref<1000000x64xf32, #tpu.memory_space<hbm>>) target(%dma_start3A_47 : memref<128x64xf32, #tpu.memory_space<vmem>>) offsets(%dma_start3A_50 : memref<128xi32, #tpu.memory_space<vmem>>) semaphore(%arg9 : memref<!tpu.dma_semaphore, #tpu.memory_space<semaphore_mem>>)
    %dma_start3A_54 = arith.constant 5 : i32
    %dma_start3A_55 = arith.constant 128 : i32
    %dma_start3A_56 = arith.constant 0 : i32
    %dma_start3A_57 = tpu.memref_slice %arg7[%dma_start3A_55, %dma_start3A_56] : memref<512x64xf32, #tpu.memory_space<vmem>> -> memref<128x64xf32, #tpu.memory_space<vmem>>
    %dma_start3A_58 = arith.constant 0 : i32
    %dma_start3A_59 = tpu.memref_slice %arg5[%dma_start3A_54, %dma_start3A_58] : memref<200x128xi32, #tpu.memory_space<vmem>> -> memref<1x128xi32, #tpu.memory_space<vmem>>
    %dma_start3A_60 = tpu.memref_squeeze %dma_start3A_59 : memref<1x128xi32, #tpu.memory_space<vmem>> -> memref<128xi32, #tpu.memory_space<vmem>>
    %dma_start3A_61 = arith.constant 0 : i32
    %dma_start3A_62 = arith.constant 0 : i32
    %dma_start3A_63 = tpu.memref_slice %arg3[%dma_start3A_61, %dma_start3A_62] : memref<1000000x64xf32, #tpu.memory_space<hbm>> -> memref<1000000x64xf32, #tpu.memory_space<hbm>>
    tpu.enqueue_indirect_dma source(%dma_start3A_63 : memref<1000000x64xf32, #tpu.memory_space<hbm>>) target(%dma_start3A_57 : memref<128x64xf32, #tpu.memory_space<vmem>>) offsets(%dma_start3A_60 : memref<128xi32, #tpu.memory_space<vmem>>) semaphore(%arg9 : memref<!tpu.dma_semaphore, #tpu.memory_space<semaphore_mem>>)
    %dma_start3A_64 = arith.constant 6 : i32
    %dma_start3A_65 = arith.constant 256 : i32
    %dma_start3A_66 = arith.constant 0 : i32
    %dma_start3A_67 = tpu.memref_slice %arg7[%dma_start3A_65, %dma_start3A_66] : memref<512x64xf32, #tpu.memory_space<vmem>> -> memref<128x64xf32, #tpu.memory_space<vmem>>
    %dma_start3A_68 = arith.constant 0 : i32
    %dma_start3A_69 = tpu.memref_slice %arg5[%dma_start3A_64, %dma_start3A_68] : memref<200x128xi32, #tpu.memory_space<vmem>> -> memref<1x128xi32, #tpu.memory_space<vmem>>
    %dma_start3A_70 = tpu.memref_squeeze %dma_start3A_69 : memref<1x128xi32, #tpu.memory_space<vmem>> -> memref<128xi32, #tpu.memory_space<vmem>>
    %dma_start3A_71 = arith.constant 0 : i32
    %dma_start3A_72 = arith.constant 0 : i32
    %dma_start3A_73 = tpu.memref_slice %arg3[%dma_start3A_71, %dma_start3A_72] : memref<1000000x64xf32, #tpu.memory_space<hbm>> -> memref<1000000x64xf32, #tpu.memory_space<hbm>>
    tpu.enqueue_indirect_dma source(%dma_start3A_73 : memref<1000000x64xf32, #tpu.memory_space<hbm>>) target(%dma_start3A_67 : memref<128x64xf32, #tpu.memory_space<vmem>>) offsets(%dma_start3A_70 : memref<128xi32, #tpu.memory_space<vmem>>) semaphore(%arg9 : memref<!tpu.dma_semaphore, #tpu.memory_space<semaphore_mem>>)
    %dma_start3A_74 = arith.constant 7 : i32
    %dma_start3A_75 = arith.constant 384 : i32
    %dma_start3A_76 = arith.constant 0 : i32
    %dma_start3A_77 = tpu.memref_slice %arg7[%dma_start3A_75, %dma_start3A_76] : memref<512x64xf32, #tpu.memory_space<vmem>> -> memref<128x64xf32, #tpu.memory_space<vmem>>
    %dma_start3A_78 = arith.constant 0 : i32
    %dma_start3A_79 = tpu.memref_slice %arg5[%dma_start3A_74, %dma_start3A_78] : memref<200x128xi32, #tpu.memory_space<vmem>> -> memref<1x128xi32, #tpu.memory_space<vmem>>
    %dma_start3A_80 = tpu.memref_squeeze %dma_start3A_79 : memref<1x128xi32, #tpu.memory_space<vmem>> -> memref<128xi32, #tpu.memory_space<vmem>>
    %dma_start3A_81 = arith.constant 0 : i32
    %dma_start3A_82 = arith.constant 0 : i32
    %dma_start3A_83 = tpu.memref_slice %arg3[%dma_start3A_81, %dma_start3A_82] : memref<1000000x64xf32, #tpu.memory_space<hbm>> -> memref<1000000x64xf32, #tpu.memory_space<hbm>>
    tpu.enqueue_indirect_dma source(%dma_start3A_83 : memref<1000000x64xf32, #tpu.memory_space<hbm>>) target(%dma_start3A_77 : memref<128x64xf32, #tpu.memory_space<vmem>>) offsets(%dma_start3A_80 : memref<128xi32, #tpu.memory_space<vmem>>) semaphore(%arg9 : memref<!tpu.dma_semaphore, #tpu.memory_space<semaphore_mem>>)
    %scan3A = arith.constant 0 : i32
    %scan3A_84 = arith.constant 0 : i32
    %scan3A_85 = arith.constant 24 : i32
    %scan3A_86 = arith.addi %scan3A_84, %scan3A_85 : i32
    %scan3A_87 = arith.constant 1 : i32
    scf.for %scan3A_124 = %scan3A_84 to %scan3A_86 step %scan3A_87  : i32 {
      %mul3A_125 = arith.constant 2 : i32
      %mul3A_126 = arith.muli %mul3A_125, %scan3A_124 : i32
      %dma_wait3A_127 = arith.constant 0 : i32
      %dma_wait3A_128 = arith.constant 0 : i32
      %dma_wait3A_129 = tpu.memref_slice %arg3[%dma_wait3A_127, %dma_wait3A_128] : memref<1000000x64xf32, #tpu.memory_space<hbm>> -> memref<512x64xf32, #tpu.memory_space<hbm>>
      %dma_wait3A_130 = arith.constant 0 : i32
      %dma_wait3A_131 = arith.constant 0 : i32
      %dma_wait3A_132 = tpu.memref_slice %arg3[%dma_wait3A_130, %dma_wait3A_131] : memref<1000000x64xf32, #tpu.memory_space<hbm>> -> memref<512x64xf32, #tpu.memory_space<hbm>>
      tpu.wait_dma2 semaphore(%arg8 : memref<!tpu.dma_semaphore, #tpu.memory_space<semaphore_mem>>) src(%dma_wait3A_132 : memref<512x64xf32, #tpu.memory_space<hbm>>) dst(%arg6 : memref<512x64xf32, #tpu.memory_space<vmem>>)
      %mul3A_133 = arith.constant 512 : i32
      %mul3A_134 = arith.muli %mul3A_126, %mul3A_133 : i32
      %add3A_135 = arith.addi %mul3A_2, %mul3A_134 : i32
      %dma_start3A_136 = arith.constant 0 : i32
      %dma_start3A_137 = tpu.memref_slice %arg4[%add3A_135, %dma_start3A_136] : memref<819200x64xf32, #tpu.memory_space<hbm>> -> memref<512x64xf32, #tpu.memory_space<hbm>>
      %dma_start3A_138 = arith.constant 0 : i32
      %dma_start3A_139 = tpu.memref_slice %arg4[%add3A_135, %dma_start3A_138] : memref<819200x64xf32, #tpu.memory_space<hbm>> -> memref<512x64xf32, #tpu.memory_space<hbm>>
      tpu.enqueue_dma source(%arg6 : memref<512x64xf32, #tpu.memory_space<vmem>>) target(%dma_start3A_139 : memref<512x64xf32, #tpu.memory_space<hbm>>) target_semaphore(%arg10 : memref<!tpu.dma_semaphore, #tpu.memory_space<semaphore_mem>>)
      %dma_wait3A_140 = arith.constant 0 : i32
      %dma_wait3A_141 = arith.constant 0 : i32
      %dma_wait3A_142 = tpu.memref_slice %arg3[%dma_wait3A_140, %dma_wait3A_141] : memref<1000000x64xf32, #tpu.memory_space<hbm>> -> memref<512x64xf32, #tpu.memory_space<hbm>>
      %dma_wait3A_143 = arith.constant 0 : i32
      %dma_wait3A_144 = arith.constant 0 : i32
      %dma_wait3A_145 = tpu.memref_slice %arg3[%dma_wait3A_143, %dma_wait3A_144] : memref<1000000x64xf32, #tpu.memory_space<hbm>> -> memref<512x64xf32, #tpu.memory_space<hbm>>
      tpu.wait_dma2 semaphore(%arg9 : memref<!tpu.dma_semaphore, #tpu.memory_space<semaphore_mem>>) src(%dma_wait3A_145 : memref<512x64xf32, #tpu.memory_space<hbm>>) dst(%arg7 : memref<512x64xf32, #tpu.memory_space<vmem>>)
      %add3A_146 = arith.constant 1 : i32
      %add3A_147 = arith.addi %mul3A_126, %add3A_146 : i32
      %mul3A_148 = arith.constant 512 : i32
      %mul3A_149 = arith.muli %add3A_147, %mul3A_148 : i32
      %add3A_150 = arith.addi %mul3A_2, %mul3A_149 : i32
      %dma_start3A_151 = arith.constant 0 : i32
      %dma_start3A_152 = tpu.memref_slice %arg4[%add3A_150, %dma_start3A_151] : memref<819200x64xf32, #tpu.memory_space<hbm>> -> memref<512x64xf32, #tpu.memory_space<hbm>>
      %dma_start3A_153 = arith.constant 0 : i32
      %dma_start3A_154 = tpu.memref_slice %arg4[%add3A_150, %dma_start3A_153] : memref<819200x64xf32, #tpu.memory_space<hbm>> -> memref<512x64xf32, #tpu.memory_space<hbm>>
      tpu.enqueue_dma source(%arg7 : memref<512x64xf32, #tpu.memory_space<vmem>>) target(%dma_start3A_154 : memref<512x64xf32, #tpu.memory_space<hbm>>) target_semaphore(%arg11 : memref<!tpu.dma_semaphore, #tpu.memory_space<semaphore_mem>>)
      %dma_wait3A_155 = arith.constant 0 : i32
      %dma_wait3A_156 = arith.constant 0 : i32
      %dma_wait3A_157 = tpu.memref_slice %arg4[%dma_wait3A_155, %dma_wait3A_156] : memref<819200x64xf32, #tpu.memory_space<hbm>> -> memref<512x64xf32, #tpu.memory_space<hbm>>
      %dma_wait3A_158 = arith.constant 0 : i32
      %dma_wait3A_159 = arith.constant 0 : i32
      %dma_wait3A_160 = tpu.memref_slice %arg4[%dma_wait3A_158, %dma_wait3A_159] : memref<819200x64xf32, #tpu.memory_space<hbm>> -> memref<512x64xf32, #tpu.memory_space<hbm>>
      tpu.wait_dma2 semaphore(%arg10 : memref<!tpu.dma_semaphore, #tpu.memory_space<semaphore_mem>>) src(%arg6 : memref<512x64xf32, #tpu.memory_space<vmem>>) dst(%dma_wait3A_160 : memref<512x64xf32, #tpu.memory_space<hbm>>)
      %add3A_161 = arith.constant 2 : i32
      %add3A_162 = arith.addi %mul3A_126, %add3A_161 : i32
      %mul3A_163 = arith.constant 4 : i32
      %mul3A_164 = arith.muli %add3A_162, %mul3A_163 : i32
      %add3A_165 = arith.constant 0 : i32
      %add3A_166 = arith.addi %mul3A_164, %add3A_165 : i32
      %dma_start3A_167 = arith.constant 0 : i32
      %dma_start3A_168 = arith.constant 0 : i32
      %dma_start3A_169 = tpu.memref_slice %arg6[%dma_start3A_167, %dma_start3A_168] : memref<512x64xf32, #tpu.memory_space<vmem>> -> memref<128x64xf32, #tpu.memory_space<vmem>>
      %dma_start3A_170 = arith.constant 0 : i32
      %dma_start3A_171 = tpu.memref_slice %arg5[%add3A_166, %dma_start3A_170] : memref<200x128xi32, #tpu.memory_space<vmem>> -> memref<1x128xi32, #tpu.memory_space<vmem>>
      %dma_start3A_172 = tpu.memref_squeeze %dma_start3A_171 : memref<1x128xi32, #tpu.memory_space<vmem>> -> memref<128xi32, #tpu.memory_space<vmem>>
      %dma_start3A_173 = arith.constant 0 : i32
      %dma_start3A_174 = arith.constant 0 : i32
      %dma_start3A_175 = tpu.memref_slice %arg3[%dma_start3A_173, %dma_start3A_174] : memref<1000000x64xf32, #tpu.memory_space<hbm>> -> memref<1000000x64xf32, #tpu.memory_space<hbm>>
      tpu.enqueue_indirect_dma source(%dma_start3A_175 : memref<1000000x64xf32, #tpu.memory_space<hbm>>) target(%dma_start3A_169 : memref<128x64xf32, #tpu.memory_space<vmem>>) offsets(%dma_start3A_172 : memref<128xi32, #tpu.memory_space<vmem>>) semaphore(%arg8 : memref<!tpu.dma_semaphore, #tpu.memory_space<semaphore_mem>>)
      %mul3A_176 = arith.constant 4 : i32
      %mul3A_177 = arith.muli %add3A_162, %mul3A_176 : i32
      %add3A_178 = arith.constant 1 : i32
      %add3A_179 = arith.addi %mul3A_177, %add3A_178 : i32
      %dma_start3A_180 = arith.constant 128 : i32
      %dma_start3A_181 = arith.constant 0 : i32
      %dma_start3A_182 = tpu.memref_slice %arg6[%dma_start3A_180, %dma_start3A_181] : memref<512x64xf32, #tpu.memory_space<vmem>> -> memref<128x64xf32, #tpu.memory_space<vmem>>
      %dma_start3A_183 = arith.constant 0 : i32
      %dma_start3A_184 = tpu.memref_slice %arg5[%add3A_179, %dma_start3A_183] : memref<200x128xi32, #tpu.memory_space<vmem>> -> memref<1x128xi32, #tpu.memory_space<vmem>>
      %dma_start3A_185 = tpu.memref_squeeze %dma_start3A_184 : memref<1x128xi32, #tpu.memory_space<vmem>> -> memref<128xi32, #tpu.memory_space<vmem>>
      %dma_start3A_186 = arith.constant 0 : i32
      %dma_start3A_187 = arith.constant 0 : i32
      %dma_start3A_188 = tpu.memref_slice %arg3[%dma_start3A_186, %dma_start3A_187] : memref<1000000x64xf32, #tpu.memory_space<hbm>> -> memref<1000000x64xf32, #tpu.memory_space<hbm>>
      tpu.enqueue_indirect_dma source(%dma_start3A_188 : memref<1000000x64xf32, #tpu.memory_space<hbm>>) target(%dma_start3A_182 : memref<128x64xf32, #tpu.memory_space<vmem>>) offsets(%dma_start3A_185 : memref<128xi32, #tpu.memory_space<vmem>>) semaphore(%arg8 : memref<!tpu.dma_semaphore, #tpu.memory_space<semaphore_mem>>)
      %mul3A_189 = arith.constant 4 : i32
      %mul3A_190 = arith.muli %add3A_162, %mul3A_189 : i32
      %add3A_191 = arith.constant 2 : i32
      %add3A_192 = arith.addi %mul3A_190, %add3A_191 : i32
      %dma_start3A_193 = arith.constant 256 : i32
      %dma_start3A_194 = arith.constant 0 : i32
      %dma_start3A_195 = tpu.memref_slice %arg6[%dma_start3A_193, %dma_start3A_194] : memref<512x64xf32, #tpu.memory_space<vmem>> -> memref<128x64xf32, #tpu.memory_space<vmem>>
      %dma_start3A_196 = arith.constant 0 : i32
      %dma_start3A_197 = tpu.memref_slice %arg5[%add3A_192, %dma_start3A_196] : memref<200x128xi32, #tpu.memory_space<vmem>> -> memref<1x128xi32, #tpu.memory_space<vmem>>
      %dma_start3A_198 = tpu.memref_squeeze %dma_start3A_197 : memref<1x128xi32, #tpu.memory_space<vmem>> -> memref<128xi32, #tpu.memory_space<vmem>>
      %dma_start3A_199 = arith.constant 0 : i32
      %dma_start3A_200 = arith.constant 0 : i32
      %dma_start3A_201 = tpu.memref_slice %arg3[%dma_start3A_199, %dma_start3A_200] : memref<1000000x64xf32, #tpu.memory_space<hbm>> -> memref<1000000x64xf32, #tpu.memory_space<hbm>>
      tpu.enqueue_indirect_dma source(%dma_start3A_201 : memref<1000000x64xf32, #tpu.memory_space<hbm>>) target(%dma_start3A_195 : memref<128x64xf32, #tpu.memory_space<vmem>>) offsets(%dma_start3A_198 : memref<128xi32, #tpu.memory_space<vmem>>) semaphore(%arg8 : memref<!tpu.dma_semaphore, #tpu.memory_space<semaphore_mem>>)
      %mul3A_202 = arith.constant 4 : i32
      %mul3A_203 = arith.muli %add3A_162, %mul3A_202 : i32
      %add3A_204 = arith.constant 3 : i32
      %add3A_205 = arith.addi %mul3A_203, %add3A_204 : i32
      %dma_start3A_206 = arith.constant 384 : i32
      %dma_start3A_207 = arith.constant 0 : i32
      %dma_start3A_208 = tpu.memref_slice %arg6[%dma_start3A_206, %dma_start3A_207] : memref<512x64xf32, #tpu.memory_space<vmem>> -> memref<128x64xf32, #tpu.memory_space<vmem>>
      %dma_start3A_209 = arith.constant 0 : i32
      %dma_start3A_210 = tpu.memref_slice %arg5[%add3A_205, %dma_start3A_209] : memref<200x128xi32, #tpu.memory_space<vmem>> -> memref<1x128xi32, #tpu.memory_space<vmem>>
      %dma_start3A_211 = tpu.memref_squeeze %dma_start3A_210 : memref<1x128xi32, #tpu.memory_space<vmem>> -> memref<128xi32, #tpu.memory_space<vmem>>
      %dma_start3A_212 = arith.constant 0 : i32
      %dma_start3A_213 = arith.constant 0 : i32
      %dma_start3A_214 = tpu.memref_slice %arg3[%dma_start3A_212, %dma_start3A_213] : memref<1000000x64xf32, #tpu.memory_space<hbm>> -> memref<1000000x64xf32, #tpu.memory_space<hbm>>
      tpu.enqueue_indirect_dma source(%dma_start3A_214 : memref<1000000x64xf32, #tpu.memory_space<hbm>>) target(%dma_start3A_208 : memref<128x64xf32, #tpu.memory_space<vmem>>) offsets(%dma_start3A_211 : memref<128xi32, #tpu.memory_space<vmem>>) semaphore(%arg8 : memref<!tpu.dma_semaphore, #tpu.memory_space<semaphore_mem>>)
      %dma_wait3A_215 = arith.constant 0 : i32
      %dma_wait3A_216 = arith.constant 0 : i32
      %dma_wait3A_217 = tpu.memref_slice %arg4[%dma_wait3A_215, %dma_wait3A_216] : memref<819200x64xf32, #tpu.memory_space<hbm>> -> memref<512x64xf32, #tpu.memory_space<hbm>>
      %dma_wait3A_218 = arith.constant 0 : i32
      %dma_wait3A_219 = arith.constant 0 : i32
      %dma_wait3A_220 = tpu.memref_slice %arg4[%dma_wait3A_218, %dma_wait3A_219] : memref<819200x64xf32, #tpu.memory_space<hbm>> -> memref<512x64xf32, #tpu.memory_space<hbm>>
      tpu.wait_dma2 semaphore(%arg11 : memref<!tpu.dma_semaphore, #tpu.memory_space<semaphore_mem>>) src(%arg7 : memref<512x64xf32, #tpu.memory_space<vmem>>) dst(%dma_wait3A_220 : memref<512x64xf32, #tpu.memory_space<hbm>>)
      %add3A_221 = arith.constant 3 : i32
      %add3A_222 = arith.addi %mul3A_126, %add3A_221 : i32
      %mul3A_223 = arith.constant 4 : i32
      %mul3A_224 = arith.muli %add3A_222, %mul3A_223 : i32
      %add3A_225 = arith.constant 0 : i32
      %add3A_226 = arith.addi %mul3A_224, %add3A_225 : i32
      %dma_start3A_227 = arith.constant 0 : i32
      %dma_start3A_228 = arith.constant 0 : i32
      %dma_start3A_229 = tpu.memref_slice %arg7[%dma_start3A_227, %dma_start3A_228] : memref<512x64xf32, #tpu.memory_space<vmem>> -> memref<128x64xf32, #tpu.memory_space<vmem>>
      %dma_start3A_230 = arith.constant 0 : i32
      %dma_start3A_231 = tpu.memref_slice %arg5[%add3A_226, %dma_start3A_230] : memref<200x128xi32, #tpu.memory_space<vmem>> -> memref<1x128xi32, #tpu.memory_space<vmem>>
      %dma_start3A_232 = tpu.memref_squeeze %dma_start3A_231 : memref<1x128xi32, #tpu.memory_space<vmem>> -> memref<128xi32, #tpu.memory_space<vmem>>
      %dma_start3A_233 = arith.constant 0 : i32
      %dma_start3A_234 = arith.constant 0 : i32
      %dma_start3A_235 = tpu.memref_slice %arg3[%dma_start3A_233, %dma_start3A_234] : memref<1000000x64xf32, #tpu.memory_space<hbm>> -> memref<1000000x64xf32, #tpu.memory_space<hbm>>
      tpu.enqueue_indirect_dma source(%dma_start3A_235 : memref<1000000x64xf32, #tpu.memory_space<hbm>>) target(%dma_start3A_229 : memref<128x64xf32, #tpu.memory_space<vmem>>) offsets(%dma_start3A_232 : memref<128xi32, #tpu.memory_space<vmem>>) semaphore(%arg9 : memref<!tpu.dma_semaphore, #tpu.memory_space<semaphore_mem>>)
      %mul3A_236 = arith.constant 4 : i32
      %mul3A_237 = arith.muli %add3A_222, %mul3A_236 : i32
      %add3A_238 = arith.constant 1 : i32
      %add3A_239 = arith.addi %mul3A_237, %add3A_238 : i32
      %dma_start3A_240 = arith.constant 128 : i32
      %dma_start3A_241 = arith.constant 0 : i32
      %dma_start3A_242 = tpu.memref_slice %arg7[%dma_start3A_240, %dma_start3A_241] : memref<512x64xf32, #tpu.memory_space<vmem>> -> memref<128x64xf32, #tpu.memory_space<vmem>>
      %dma_start3A_243 = arith.constant 0 : i32
      %dma_start3A_244 = tpu.memref_slice %arg5[%add3A_239, %dma_start3A_243] : memref<200x128xi32, #tpu.memory_space<vmem>> -> memref<1x128xi32, #tpu.memory_space<vmem>>
      %dma_start3A_245 = tpu.memref_squeeze %dma_start3A_244 : memref<1x128xi32, #tpu.memory_space<vmem>> -> memref<128xi32, #tpu.memory_space<vmem>>
      %dma_start3A_246 = arith.constant 0 : i32
      %dma_start3A_247 = arith.constant 0 : i32
      %dma_start3A_248 = tpu.memref_slice %arg3[%dma_start3A_246, %dma_start3A_247] : memref<1000000x64xf32, #tpu.memory_space<hbm>> -> memref<1000000x64xf32, #tpu.memory_space<hbm>>
      tpu.enqueue_indirect_dma source(%dma_start3A_248 : memref<1000000x64xf32, #tpu.memory_space<hbm>>) target(%dma_start3A_242 : memref<128x64xf32, #tpu.memory_space<vmem>>) offsets(%dma_start3A_245 : memref<128xi32, #tpu.memory_space<vmem>>) semaphore(%arg9 : memref<!tpu.dma_semaphore, #tpu.memory_space<semaphore_mem>>)
      %mul3A_249 = arith.constant 4 : i32
      %mul3A_250 = arith.muli %add3A_222, %mul3A_249 : i32
      %add3A_251 = arith.constant 2 : i32
      %add3A_252 = arith.addi %mul3A_250, %add3A_251 : i32
      %dma_start3A_253 = arith.constant 256 : i32
      %dma_start3A_254 = arith.constant 0 : i32
      %dma_start3A_255 = tpu.memref_slice %arg7[%dma_start3A_253, %dma_start3A_254] : memref<512x64xf32, #tpu.memory_space<vmem>> -> memref<128x64xf32, #tpu.memory_space<vmem>>
      %dma_start3A_256 = arith.constant 0 : i32
      %dma_start3A_257 = tpu.memref_slice %arg5[%add3A_252, %dma_start3A_256] : memref<200x128xi32, #tpu.memory_space<vmem>> -> memref<1x128xi32, #tpu.memory_space<vmem>>
      %dma_start3A_258 = tpu.memref_squeeze %dma_start3A_257 : memref<1x128xi32, #tpu.memory_space<vmem>> -> memref<128xi32, #tpu.memory_space<vmem>>
      %dma_start3A_259 = arith.constant 0 : i32
      %dma_start3A_260 = arith.constant 0 : i32
      %dma_start3A_261 = tpu.memref_slice %arg3[%dma_start3A_259, %dma_start3A_260] : memref<1000000x64xf32, #tpu.memory_space<hbm>> -> memref<1000000x64xf32, #tpu.memory_space<hbm>>
      tpu.enqueue_indirect_dma source(%dma_start3A_261 : memref<1000000x64xf32, #tpu.memory_space<hbm>>) target(%dma_start3A_255 : memref<128x64xf32, #tpu.memory_space<vmem>>) offsets(%dma_start3A_258 : memref<128xi32, #tpu.memory_space<vmem>>) semaphore(%arg9 : memref<!tpu.dma_semaphore, #tpu.memory_space<semaphore_mem>>)
      %mul3A_262 = arith.constant 4 : i32
      %mul3A_263 = arith.muli %add3A_222, %mul3A_262 : i32
      %add3A_264 = arith.constant 3 : i32
      %add3A_265 = arith.addi %mul3A_263, %add3A_264 : i32
      %dma_start3A_266 = arith.constant 384 : i32
      %dma_start3A_267 = arith.constant 0 : i32
      %dma_start3A_268 = tpu.memref_slice %arg7[%dma_start3A_266, %dma_start3A_267] : memref<512x64xf32, #tpu.memory_space<vmem>> -> memref<128x64xf32, #tpu.memory_space<vmem>>
      %dma_start3A_269 = arith.constant 0 : i32
      %dma_start3A_270 = tpu.memref_slice %arg5[%add3A_265, %dma_start3A_269] : memref<200x128xi32, #tpu.memory_space<vmem>> -> memref<1x128xi32, #tpu.memory_space<vmem>>
      %dma_start3A_271 = tpu.memref_squeeze %dma_start3A_270 : memref<1x128xi32, #tpu.memory_space<vmem>> -> memref<128xi32, #tpu.memory_space<vmem>>
      %dma_start3A_272 = arith.constant 0 : i32
      %dma_start3A_273 = arith.constant 0 : i32
      %dma_start3A_274 = tpu.memref_slice %arg3[%dma_start3A_272, %dma_start3A_273] : memref<1000000x64xf32, #tpu.memory_space<hbm>> -> memref<1000000x64xf32, #tpu.memory_space<hbm>>
      tpu.enqueue_indirect_dma source(%dma_start3A_274 : memref<1000000x64xf32, #tpu.memory_space<hbm>>) target(%dma_start3A_268 : memref<128x64xf32, #tpu.memory_space<vmem>>) offsets(%dma_start3A_271 : memref<128xi32, #tpu.memory_space<vmem>>) semaphore(%arg9 : memref<!tpu.dma_semaphore, #tpu.memory_space<semaphore_mem>>)
    }
    %scan3A_88 = arith.constant 24 : i32
    %dma_wait3A = arith.constant 0 : i32
    %dma_wait3A_89 = arith.constant 0 : i32
    %dma_wait3A_90 = tpu.memref_slice %arg3[%dma_wait3A, %dma_wait3A_89] : memref<1000000x64xf32, #tpu.memory_space<hbm>> -> memref<512x64xf32, #tpu.memory_space<hbm>>
    %dma_wait3A_91 = arith.constant 0 : i32
    %dma_wait3A_92 = arith.constant 0 : i32
    %dma_wait3A_93 = tpu.memref_slice %arg3[%dma_wait3A_91, %dma_wait3A_92] : memref<1000000x64xf32, #tpu.memory_space<hbm>> -> memref<512x64xf32, #tpu.memory_space<hbm>>
    tpu.wait_dma2 semaphore(%arg8 : memref<!tpu.dma_semaphore, #tpu.memory_space<semaphore_mem>>) src(%dma_wait3A_93 : memref<512x64xf32, #tpu.memory_space<hbm>>) dst(%arg6 : memref<512x64xf32, #tpu.memory_space<vmem>>)
    %add3A_94 = arith.constant 24576 : i32
    %add3A_95 = arith.addi %mul3A_2, %add3A_94 : i32
    %dma_start3A_96 = arith.constant 0 : i32
    %dma_start3A_97 = tpu.memref_slice %arg4[%add3A_95, %dma_start3A_96] : memref<819200x64xf32, #tpu.memory_space<hbm>> -> memref<512x64xf32, #tpu.memory_space<hbm>>
    %dma_start3A_98 = arith.constant 0 : i32
    %dma_start3A_99 = tpu.memref_slice %arg4[%add3A_95, %dma_start3A_98] : memref<819200x64xf32, #tpu.memory_space<hbm>> -> memref<512x64xf32, #tpu.memory_space<hbm>>
    tpu.enqueue_dma source(%arg6 : memref<512x64xf32, #tpu.memory_space<vmem>>) target(%dma_start3A_99 : memref<512x64xf32, #tpu.memory_space<hbm>>) target_semaphore(%arg10 : memref<!tpu.dma_semaphore, #tpu.memory_space<semaphore_mem>>)
    %dma_wait3A_100 = arith.constant 0 : i32
    %dma_wait3A_101 = arith.constant 0 : i32
    %dma_wait3A_102 = tpu.memref_slice %arg3[%dma_wait3A_100, %dma_wait3A_101] : memref<1000000x64xf32, #tpu.memory_space<hbm>> -> memref<512x64xf32, #tpu.memory_space<hbm>>
    %dma_wait3A_103 = arith.constant 0 : i32
    %dma_wait3A_104 = arith.constant 0 : i32
    %dma_wait3A_105 = tpu.memref_slice %arg3[%dma_wait3A_103, %dma_wait3A_104] : memref<1000000x64xf32, #tpu.memory_space<hbm>> -> memref<512x64xf32, #tpu.memory_space<hbm>>
    tpu.wait_dma2 semaphore(%arg9 : memref<!tpu.dma_semaphore, #tpu.memory_space<semaphore_mem>>) src(%dma_wait3A_105 : memref<512x64xf32, #tpu.memory_space<hbm>>) dst(%arg7 : memref<512x64xf32, #tpu.memory_space<vmem>>)
    %add3A_106 = arith.constant 25088 : i32
    %add3A_107 = arith.addi %mul3A_2, %add3A_106 : i32
    %dma_start3A_108 = arith.constant 0 : i32
    %dma_start3A_109 = tpu.memref_slice %arg4[%add3A_107, %dma_start3A_108] : memref<819200x64xf32, #tpu.memory_space<hbm>> -> memref<512x64xf32, #tpu.memory_space<hbm>>
    %dma_start3A_110 = arith.constant 0 : i32
    %dma_start3A_111 = tpu.memref_slice %arg4[%add3A_107, %dma_start3A_110] : memref<819200x64xf32, #tpu.memory_space<hbm>> -> memref<512x64xf32, #tpu.memory_space<hbm>>
    tpu.enqueue_dma source(%arg7 : memref<512x64xf32, #tpu.memory_space<vmem>>) target(%dma_start3A_111 : memref<512x64xf32, #tpu.memory_space<hbm>>) target_semaphore(%arg11 : memref<!tpu.dma_semaphore, #tpu.memory_space<semaphore_mem>>)
    %dma_wait3A_112 = arith.constant 0 : i32
    %dma_wait3A_113 = arith.constant 0 : i32
    %dma_wait3A_114 = tpu.memref_slice %arg4[%dma_wait3A_112, %dma_wait3A_113] : memref<819200x64xf32, #tpu.memory_space<hbm>> -> memref<512x64xf32, #tpu.memory_space<hbm>>
    %dma_wait3A_115 = arith.constant 0 : i32
    %dma_wait3A_116 = arith.constant 0 : i32
    %dma_wait3A_117 = tpu.memref_slice %arg4[%dma_wait3A_115, %dma_wait3A_116] : memref<819200x64xf32, #tpu.memory_space<hbm>> -> memref<512x64xf32, #tpu.memory_space<hbm>>
    tpu.wait_dma2 semaphore(%arg10 : memref<!tpu.dma_semaphore, #tpu.memory_space<semaphore_mem>>) src(%arg6 : memref<512x64xf32, #tpu.memory_space<vmem>>) dst(%dma_wait3A_117 : memref<512x64xf32, #tpu.memory_space<hbm>>)
    %dma_wait3A_118 = arith.constant 0 : i32
    %dma_wait3A_119 = arith.constant 0 : i32
    %dma_wait3A_120 = tpu.memref_slice %arg4[%dma_wait3A_118, %dma_wait3A_119] : memref<819200x64xf32, #tpu.memory_space<hbm>> -> memref<512x64xf32, #tpu.memory_space<hbm>>
    %dma_wait3A_121 = arith.constant 0 : i32
    %dma_wait3A_122 = arith.constant 0 : i32
    %dma_wait3A_123 = tpu.memref_slice %arg4[%dma_wait3A_121, %dma_wait3A_122] : memref<819200x64xf32, #tpu.memory_space<hbm>> -> memref<512x64xf32, #tpu.memory_space<hbm>>
    tpu.wait_dma2 semaphore(%arg11 : memref<!tpu.dma_semaphore, #tpu.memory_space<semaphore_mem>>) src(%arg7 : memref<512x64xf32, #tpu.memory_space<vmem>>) dst(%dma_wait3A_123 : memref<512x64xf32, #tpu.memory_space<hbm>>)
    return
  }
}

</mosaic_0001>

<sc_bundles>
// kernel: kernel.3.cloned.1.call-start
scs
__scs_entry_jumppad:
0x0: {  	(pc) =	sbr.rel $0x88, $3  }
0x1: {  	(tag) =	ssettag $0x0;
	lr =	simm.s32 $0x1  }
0x2: {  	[smem:$0x3F9F] =	sst lr;
	_ =	strace $0xD0000000  }
0x3: {  	_ = 	snop  }
0x4: {  	_ = 	snop  }
0x5: {  	_ = 	snop  }
0x6: {  	_ = 	snop  }
0x7: {  	_ = 	snop  }
__scs_overlays_trampoline_lowered:
0x8: {  	[smem:$0x3FAE] =	sst s0  }
0x9: {  	[smem:$0x3FAF] =	sst s1  }
0xa: {  	[smem:$0x3FB0] =	sst s2  }
0xb: {  	[smem:$0x3FB1] =	sst s3  }
0xc: {  	[smem:$0x3FB2] =	sst s4  }
0xd: {  	[smem:$0x3FB3] =	sst s5  }
0xe: {  	[smem:$0x3FB4] =	sst s6  }
0xf: {  	[smem:$0x3FB5] =	sst s7  }
0x10: {  	[smem:$0x3FB6] =	sst s8  }
0x11: {  	[smem:$0x3FB7] =	sst s9;
	s0 =	simm.s32 @!p0 $0x0  }
0x12: {  	s1 =	sld [smem:$0x3F9D];
	s0 =	simm.s32 @p0 $0x1  }
0x13: {  	[smem:$0x3FB8] =	sst s0;
	s0 =	simm.s32 @!p1 $0x0  }
0x14: {  	s2 =	sld [smem:$0x3F9C];
	s0 =	simm.s32 @p1 $0x1  }
0x15: {  	[smem:$0x3FB9] =	sst s0;
	s0 =	simm.s32 @!p2 $0x0  }
0x16: {  	s3 =	sld [smem:$0x3FDB];
	s0 =	simm.s32 @p2 $0x1  }
0x17: {  	s4 =	simm.s32 $0x1BF5;
	[smem:$0x3FBB] =	sst s0  }
0x18: {  	s0 =	sld [smem:$0x3F9E];
	_ =	swait.ge [sflag:s4], $0x0  }
0x19: {  	s7 =	sld [smem:$0x3F9F]  }
0x1a: {  	s8 =	sadd.s32 $0xFFFFE003, lr  }
0x1b: {  	s9 =	sadd.s32 $0xFFFFFEF7, lr;
	s5 =	simm.s32 $0xFFFFFFFF;
	p2 =	slt.u32 s8, $0xFFFFF086  }
0x1c: {  	p1 =	slt.u32 s9, $0xF7A;
	s5 =	simm.s32 @!p2 $0x0  }
0x1d: {  	s5 =	simm.s32 @p1 $0x1;
	p0 =	seq.s32 s7, s2  }
0x1e: {  	s7 =	smul.u32 @!p0 $0xF7A, s2;
	p2 =	seq.s32 @!p0 s5, $0x0  }
0x1f: {  	s9 =	smul.u32 $0xF7A, s1;
	s8 =	simm.s32 @!p0 $0x1BF5;
	p2 =	por !p2, p0  }
0x20: {  	[sflag:s8] =	ssyncset.s32 @!p0 $0xFFFFF086;
	s6 =	sadd.s32 @!p0 s3, s7;
	s7 =	simm.s32 @!p0 $0x108  }
0x21: {  	s3 =	sadd.s32 s3, s9;
	s6 =	sadd.s32 @!p0 $0x88, s6;
	s7 =	simm.s32 @p2 $0x1082  }
0x22: {  	[simem:s7], [sflag:s8] =	dma.local @!p0 [hbm:s6], $0xF7A  }
0x23: {  	s9 =	sor.u32 $0xD0000000, s2;
	s6 =	simm.s32 $0x108;
	_ =	swait.ge @!p0 [sflag:s8], $0x0  }
0x24: {  	s3 =	sadd.s32 $0x88, s3;
	s6 =	simm.s32 @!p1 $0x1082;
	[sflag:s4] =	ssyncset.s32 $0xFFFFF086  }
0x25: {  	[simem:s6], [sflag:s4] =	dma.local [hbm:s3], $0xF7A  }
0x26: {  	[smem:$0x3F9F] =	sst s1;
	(tag) =	ssettag s2;
	_ =	strace s9  }
0x27: {  	s1 =	sld [smem:$0x3FAF]  }
0x28: {  	s2 =	sld [smem:$0x3FB0]  }
0x29: {  	s4 =	sld [smem:$0x3FB2]  }
0x2a: {  	p0 =	seq.s32 s5, $0x0;
	s5 =	sld [smem:$0x3FB3]  }
0x2b: {  	s6 =	sld [smem:$0x3FB4]  }
0x2c: {  	s7 =	sld [smem:$0x3FB5]  }
0x2d: {  	s3 =	simm.s32 $0x108;
	s8 =	sld [smem:$0x3FB6]  }
0x2e: {  	s3 =	simm.s32 @!p0 $0x1082;
	s9 =	sld [smem:$0x3FB7]  }
0x2f: {  	lr =	sadd.s32 s0, s3;
	s0 =	sld [smem:$0x3FAE]  }
0x30: {  	s3 =	sld [smem:$0x3FB1]  }
0x31: {  	[smem:$0x3FBA] =	sst s10  }
0x32: {  	s10 =	sld [smem:$0x3FB8];
	_ =	sdelay $0x3  }
0x33: {  	p0 =	seq.s32 s10, $0x1;
	s10 =	sld [smem:$0x3FBA];
	_ =	sdelay $0x3  }
0x34: {  	[smem:$0x3FBA] =	sst s10  }
0x35: {  	s10 =	sld [smem:$0x3FB9];
	_ =	sdelay $0x3  }
0x36: {  	p1 =	seq.s32 s10, $0x1;
	s10 =	sld [smem:$0x3FBA];
	_ =	sdelay $0x3  }
0x37: {  	[smem:$0x3FBA] =	sst s10  }
0x38: {  	s10 =	sld [smem:$0x3FBB]  }
0x39: {  	_ = 	snop;
	(pc) =	sbr.ind lr, $3  }
0x3a: {  	_ = 	snop  }
0x3b: {  	_ = 	snop  }
0x3c: {  	p2 =	seq.s32 s10, $0x1;
	s10 =	sld [smem:$0x3FBA]  }
0x3d: {  	_ =	shalt  }
0x3e: {  	_ =	shalt  }
0x3f: {  	_ =	shalt  }
0x40: {  	_ =	shalt  }
0x41: {  	_ =	shalt  }
0x42: {  	_ =	shalt  }
0x43: {  	_ =	shalt  }
0x44: {  	_ =	shalt  }
0x45: {  	_ =	shalt  }
0x46: {  	_ =	shalt  }
0x47: {  	_ =	shalt  }
0x48: {  	_ =	shalt  }
0x49: {  	_ =	shalt  }
0x4a: {  	_ =	shalt  }
0x4b: {  	_ =	shalt  }
0x4c: {  	_ =	shalt  }
0x4d: {  	_ =	shalt  }
0x4e: {  	_ =	shalt  }
0x4f: {  	_ =	shalt  }
0x50: {  	_ =	shalt  }
0x51: {  	_ =	shalt  }
0x52: {  	_ =	shalt  }
0x53: {  	_ =	shalt  }
0x54: {  	_ =	shalt  }
0x55: {  	_ =	shalt  }
0x56: {  	_ =	shalt  }
0x57: {  	_ =	shalt  }
0x58: {  	_ =	shalt  }
0x59: {  	_ =	shalt  }
0x5a: {  	_ =	shalt  }
0x5b: {  	_ =	shalt  }
0x5c: {  	_ =	shalt  }
0x5d: {  	_ =	shalt  }
0x5e: {  	_ =	shalt  }
0x5f: {  	_ =	shalt  }
0x60: {  	_ =	shalt  }
0x61: {  	_ =	shalt  }
0x62: {  	_ =	shalt  }
0x63: {  	_ =	shalt  }
0x64: {  	_ =	shalt  }
0x65: {  	_ =	shalt  }
0x66: {  	_ =	shalt  }
0x67: {  	_ =	shalt  }
0x68: {  	_ =	shalt  }
0x69: {  	_ =	shalt  }
0x6a: {  	_ =	shalt  }
0x6b: {  	_ =	shalt  }
0x6c: {  	_ =	shalt  }
0x6d: {  	_ =	shalt  }
0x6e: {  	_ =	shalt  }
0x6f: {  	_ =	shalt  }
0x70: {  	_ =	shalt  }
0x71: {  	_ =	shalt  }
0x72: {  	_ =	shalt  }
0x73: {  	_ =	shalt  }
0x74: {  	_ =	shalt  }
0x75: {  	_ =	shalt  }
0x76: {  	_ =	shalt  }
0x77: {  	_ =	shalt  }
0x78: {  	_ =	shalt  }
0x79: {  	_ =	shalt  }
0x7a: {  	_ =	shalt  }
0x7b: {  	_ =	shalt  }
0x7c: {  	_ =	shalt  }
0x7d: {  	_ =	shalt  }
0x7e: {  	_ =	shalt  }
0x7f: {  	_ =	shalt  }
0x80: {  	_ =	shalt  }
0x81: {  	_ =	shalt  }
0x82: {  	_ =	shalt  }
0x83: {  	_ =	shalt  }
0x84: {  	_ =	shalt  }
0x85: {  	_ =	shalt  }
0x86: {  	_ =	shalt  }
0x87: {  	_ =	shalt  }
.Lfunc_end0:
.L_simem_size_0:
called_computation.1_lowered:
.L_overlay_start_0:
0x88: {  	s2 =	sld [smem:$0x3FD9]  }
0x89: {  	s3 =	sld [smem:$0x3FFE];
	_ =	sdelay $0x1  }
0x8a: {  	s1 =	srdreg.scid  }
0x8b: {  	s0 =	sand.u32 $0x1, s1  }
0x8c: {  	s17 =	sshll.u32 s0, $0xA;
	s2 =	sadd.s32 s3, s2  }
0x8d: {  	s2 =	sadd.s32 s2, s17  }
0x8e: {  	[smem:$0x3FC6] =	sst s2  }
0x8f: {  	_ = 	snop  }
0x90: {  	s2 =	sld [smem:$0x3FD0];
	(tm) =	ssettm $0x1  }
0x91: {  	s18 =	sld [smem:$0x3FFB];
	_ =	sdelay $0x3  }
0x92: {  	_ =	strace s18  }
0x93: {  	s3 =	sld [smem:$0x3FFC];
	_ =	sdelay $0x3  }
0x94: {  	_ =	strace s3  }
0x95: {  	s3 =	sld [smem:$0x3FFD];
	_ =	sdelay $0x3  }
0x96: {  	_ =	strace s3  }
0x97: {  	_ =	strace $0x8FFFFFFF  }
0x98: {  	s19 =	sld [smem:$0x3FDB];
	_ =	sdelay $0x1  }
0x99: {  	s4 =	simm.s32 $_scs_section_size  }
0x9a: {  	s5 =	simm.s32 $_size__tile_overlayer_lowered;
	s6 =	simm.s32 $_tile_overlayer_lowered  }
0x9b: {  	s22 =	simm.s32 $0x1BFF;
	s21 =	sshll.u32 s6, $0x1;
	s3 =	sadd.s32 s4, s19  }
0x9c: {  	s7 =	simm.s32 $0x0;
	s20 =	sshll.u32 s5, $0x1;
	s5 =	sadd.s32 s21, s3  }
0x9d: {  	[timem:s7], [sflag:s22] =	dma.local [hbm:s5], s20  }
0x9e: {  	_ =	swait.ge [sflag:s22], s20  }
0x9f: {  	s4 =	ssub.s32 $0x0, s20;
	[sflag:s22] =	ssyncset.done $0x0  }
0xa0: {  	[sflag:s22] =	ssyncadd.s32 s4;
	_ =	sdelay $0x1  }
0xa1: {  	s23 =	simm.s32 $0x1B8B  }
0xa2: {  	_ =	swait.ge [sflag:s23], $0x1  }
0xa3: {  	[sflag:s23] =	ssyncset.done $0x0  }
0xa4: {  	s25 =	simm.s32 $0x1B8E;
	s24 =	sld [smem:$0x3FFE];
	[sflag:s23] =	ssyncadd.s32 $0xFFFFFFFF  }
0xa5: {  	s26 =	simm.s32 $execute0_lowered;
	[smem:$0x3FD2] =	sst s25  }
0xa6: {  	s5 =	sshll.u32 s26, $0x1;
	_ =	strace $0x80000046;
	[dreg:$0x1] =	wrdreg $0xFFFFFFFF  }
0xa7: {  	s28 =	simm.s32 $_size_execute0_lowered;
	s3 =	sadd.s32 s3, s5;
	[dreg:$0x0] =	wrdreg $0x0  }
0xa8: {  	s5 =	sshll.u32 s28, $0x1;
	[dreg:$0x2] =	wrdreg s3  }
0xa9: {  	[dreg:$0x3] =	wrdreg s5  }
0xaa: {  	[dreg:$0x4] =	wrdreg $0xC0  }
0xab: {  	_ =	task [dreg:s7], $0x5FFFF  }
0xac: {  	[dreg:$0x1] =	wrdreg $0xFFFFFFFF  }
0xad: {  	[dreg:$0x0] =	wrdreg $0x60  }
0xae: {  	[dreg:$0x2] =	wrdreg s24  }
0xaf: {  	[dreg:$0x3] =	wrdreg s2  }
0xb0: {  	[dreg:$0x4] =	wrdreg $0x9  }
0xb1: {  	_ =	task.clear_ibuf [dreg:s7], $0x5FFFF;
	_ =	strace $0x90000046  }
0xb2: {  	s29 =	simm.s32 $0x9;
	_ =	strace $0x80000048  }
0xb3: {  	_ =	swait.ge [sflag:s29], $0x1  }
0xb4: {  	[sflag:s29] =	ssyncadd.s32 $0xFFFFFFFF  }
0xb5: {  	_ =	strace $0x90000048  }
0xb6: {  	_ =	sfence  }
0xb7: {  	s30 =	sld [smem:$0x0];
	_ =	sdelay $0x2  }
0xb8: {  	s31 =	sshll.u32 s1, $0xD;
	s1 =	sshrl.u32 s1, $0x2  }
0xb9: {  	s3 =	sand.u32 $0x4000, s31;
	s1 =	sadd.s32 s1, s30  }
0xba: {  	s0 =	sor.u32 s3, s0;
	s1 =	sshll.u32 s1, $0x11  }
0xbb: {  	s0 =	sor.u32 s1, s0  }
0xbc: {  	s0 =	sadd.s32 $0x8F2B, s0  }
0xbd: {  	[sflag:s0] =	ssyncadd.remote.s32 $0x1  }
0xbe: {  	_ =	sfence.sel $0xFFFF  }
0xbf: {  	[dreg:$0x0] =	wrdreg $0xFFFFFFFF;
	(pc) =	sbr.abs _section_cstart, $3  }
0xc0: {  	[dreg:$0x1] =	wrdreg $0xFFFFFFFF  }
0xc1: {  	_ =	task.clear_ibuf [dreg:s7], $0x2FFFF;
	_ =	strace $0x9FFFFFFF  }
0xc2: {  	(tm) =	ssettm $0x7FFFFFFF  }
0xc3: {  	_ =	shalt  }
tec
execute0_lowered:
.L_overlay_start_1:
0x0: {  	(tag) =	ssettag $0x1  }
0x1: {  	s0 =	rddreg [dreg:$0x0]  }
0x2: {  	s1 =	srdreg.scid;
	s8 =	stileid.u32  }
0x3: {  	s9 =	rddreg [dreg:$0x1];
	s2 =	simm.s32 $0x0;
	s11 =	simm.s32 $0x80  }
0x4: {  	s12 =	simm.s32 $0x6400;
	s13 =	simm.s32 $0x8400;
	s15 =	simm.s32 $0xA400  }
0x5: {  	s17 =	simm.s32 $0xC400;
	s19 =	simm.s32 $0xE400;
	s20 =	simm.s32 $0x280  }
0x6: {  	s21 =	simm.s32 $0x10400;
	s22 =	simm.s32 $0x300;
	s23 =	simm.s32 $0x12400  }
0x7: {  	s28 =	simm.s32 $0x2;
	s29 =	simm.s32 $0x3;
	s7 =	smul.u32 $0x64000, s8  }
0x8: {  	s1 =	sand.u32 $0x1, s1;
	s3 =	sshll.u32 s8, $0x1;
	s8 =	smul.u32 $0x320000, s8  }
0x9: {  	s30 =	simm.s32 $0x4;
	[smem:$0x7FF] =	sst s2;
	s25 =	smul.u32 $0x190000, s1  }
0xa: {  	s3 =	sor.u32 s1, s3;
	s6 =	ssub.s32 $0x2, s1;
	s1 =	smul.u32 $0x32000, s1  }
0xb: {  	s31 =	simm.s32 $0x0;
	_ =	strace $0x80000047;
	s4 =	smul.u32 $0xC80, s3  }
0xc: {  	s5 =	smul.u32 $0x190000, s3;
	s3 =	sadd.s32 $0xF42E00, s0;
	s7 =	sadd.s32 s7, s9  }
0xd: {  	s24 =	sshrl.u32 s6, $0x1;
	s8 =	sadd.s32 s25, s8;
	s1 =	sadd.s32 s1, s7  }
0xe: {  	s25 =	simm.s32 $0x14400;
	s4 =	sadd.s32 s4, s0;
	s0 =	ssub.s32 s6, s24  }
0xf: {  	s5 =	sshrl.u32 s5, $0x3;
	s26 =	sshrl.u32 s8, $0x3;
	s8 =	sadd.s32 $0x1000, s1  }
0x10: {  	s24 =	simm.s32 $0x380;
	s4 =	sadd.s32 $0xA00, s4;
	s10 =	sadd.s32 s9, s5  }
0x11: {  	s7 =	smax.u32 s0, $0x1;
	s9 =	sadd.s32 s26, s9;
	s26 =	simm.s32 $0x1  }
0x12: {  	s5 =	sadd.s32 $0x30000, s10;
	s6 =	sadd.s32 $0x31000, s10;
	s10 =	simm.s32 $0x5  }
.LBB2_1:
0x13: {  	[tilespmem:s2], [sflag:$0x5] =	stream.linear.gather [hbm4b:s4+s2], $0x6400, $0x38;
	[tilespmem:$0x16400] =	vst v63  }
0x14: {  	_ =	swait.ge [sflag:s10], $0x6400  }
0x15: {  	[sflag:s10] =	ssyncset.done $0x0  }
0x16: {  	[sflag:s10] =	ssyncadd.s32 $0xFFFF9C00  }
0x17: {  	[tilespmem:s12], [sflag:$0x1] =	stream.indirect.gather [hbm4b:s3+s11], $0x40, s2, s11, $0xb8;
	[tilespmem:$0x16400] =	vst v63  }
0x18: {  	_ = 	snop  }
0x19: {  	[tilespmem:s13], [sflag:$0x1] =	stream.indirect.gather [hbm4b:s3+s11], $0x40, s11, s11, $0xb8;
	[tilespmem:$0x16400] =	vst v63  }
0x1a: {  	s0 =	simm.s32 $0x100  }
0x1b: {  	[tilespmem:s15], [sflag:$0x1] =	stream.indirect.gather [hbm4b:s3+s11], $0x40, s0, s11, $0xb8;
	[tilespmem:$0x16400] =	vst v63  }
0x1c: {  	s18 =	simm.s32 $0x180  }
0x1d: {  	[tilespmem:s17], [sflag:$0x1] =	stream.indirect.gather [hbm4b:s3+s11], $0x40, s18, s11, $0xb8;
	[tilespmem:$0x16400] =	vst v63  }
0x1e: {  	s1 =	simm.s32 $0x200  }
0x1f: {  	[tilespmem:s19], [sflag:$0x2] =	stream.indirect.gather [hbm4b:s3+s11], $0x40, s1, s11, $0xb8;
	[tilespmem:$0x16400] =	vst v63  }
0x20: {  	_ = 	snop  }
0x21: {  	[tilespmem:s21], [sflag:$0x2] =	stream.indirect.gather [hbm4b:s3+s11], $0x40, s20, s11, $0xb8;
	[tilespmem:$0x16400] =	vst v63  }
0x22: {  	_ = 	snop  }
0x23: {  	[tilespmem:s23], [sflag:$0x2] =	stream.indirect.gather [hbm4b:s3+s11], $0x40, s22, s11, $0xb8;
	[tilespmem:$0x16400] =	vst v63  }
0x24: {  	_ = 	snop  }
0x25: {  	[tilespmem:s25], [sflag:$0x2] =	stream.indirect.gather [hbm4b:s3+s11], $0x40, s24, s11, $0xb8;
	[tilespmem:$0x16400] =	vst v63  }
0x26: {  	_ =	swait.ge [sflag:s26], $0x8000  }
0x27: {  	[sflag:s26] =	ssyncset.done $0x0  }
0x28: {  	[sflag:s26] =	ssyncadd.s32 $0xFFFF8000  }
0x29: {  	[hbm4b:s9+s2] =	stream.linear.scatter [tilespmem:s12], [sflag:$0x3], $0x8000, $0x38;
	[tilespmem:$0x16400] =	vst v63  }
0x2a: {  	_ =	swait.ge [sflag:s28], $0x8000  }
0x2b: {  	[sflag:s28] =	ssyncset.done $0x0  }
0x2c: {  	[sflag:s28] =	ssyncadd.s32 $0xFFFF8000  }
0x2d: {  	[hbm4b:s8+s2] =	stream.linear.scatter [tilespmem:s19], [sflag:$0x4], $0x8000, $0x38;
	[tilespmem:$0x16400] =	vst v63  }
0x2e: {  	_ =	swait.ge [sflag:s29], $0x8000  }
0x2f: {  	[sflag:s29] =	ssyncset.done $0x0  }
0x30: {  	s14 =	simm.s32 $0x400;
	[sflag:s29] =	ssyncadd.s32 $0xFFFF8000  }
0x31: {  	[tilespmem:s12], [sflag:$0x1] =	stream.indirect.gather [hbm4b:s3+s11], $0x40, s14, s11, $0xb8;
	[tilespmem:$0x16400] =	vst v63  }
0x32: {  	s16 =	simm.s32 $0x480  }
0x33: {  	[tilespmem:s13], [sflag:$0x1] =	stream.indirect.gather [hbm4b:s3+s11], $0x40, s16, s11, $0xb8;
	[tilespmem:$0x16400] =	vst v63  }
0x34: {  	s18 =	simm.s32 $0x500  }
0x35: {  	[tilespmem:s15], [sflag:$0x1] =	stream.indirect.gather [hbm4b:s3+s11], $0x40, s18, s11, $0xb8;
	[tilespmem:$0x16400] =	vst v63  }
0x36: {  	s1 =	simm.s32 $0x580  }
0x37: {  	[tilespmem:s17], [sflag:$0x1] =	stream.indirect.gather [hbm4b:s3+s11], $0x40, s1, s11, $0xb8;
	[tilespmem:$0x16400] =	vst v63  }
0x38: {  	_ =	swait.ge [sflag:s30], $0x8000  }
0x39: {  	[sflag:s30] =	ssyncset.done $0x0  }
0x3a: {  	s14 =	simm.s32 $0x600;
	[sflag:s30] =	ssyncadd.s32 $0xFFFF8000  }
0x3b: {  	[tilespmem:s19], [sflag:$0x2] =	stream.indirect.gather [hbm4b:s3+s11], $0x40, s14, s11, $0xb8;
	[tilespmem:$0x16400] =	vst v63  }
0x3c: {  	s0 =	sadd.s32 $0x2000, s8;
	s16 =	simm.s32 $0x680;
	s18 =	simm.s32 $0x700  }
0x3d: {  	[tilespmem:s21], [sflag:$0x2] =	stream.indirect.gather [hbm4b:s3+s11], $0x40, s16, s11, $0xb8;
	[tilespmem:$0x16400] =	vst v63  }
0x3e: {  	s1 =	simm.s32 $0x1000;
	s14 =	sadd.s32 $0x2000, s9;
	s16 =	simm.s32 $0x780  }
0x3f: {  	[tilespmem:s23], [sflag:$0x2] =	stream.indirect.gather [hbm4b:s3+s11], $0x40, s18, s11, $0xb8;
	[tilespmem:$0x16400] =	vst v63  }
.LBB2_2:
0x40: {  	[tilespmem:s25], [sflag:$0x2] =	stream.indirect.gather [hbm4b:s3+s11], $0x40, s16, s11, $0xb8;
	[tilespmem:$0x16400] =	vst v63  }
0x41: {  	s16 =	smov.u32 s1  }
0x42: {  	p0 =	sne.s32 s1, $0x17000;
	s1 =	sadd.s32 $0x1000, s1;
	_ =	swait.ge [sflag:s26], $0x8000  }
0x43: {  	[sflag:s26] =	ssyncset.done $0x0  }
0x44: {  	[sflag:s26] =	ssyncadd.s32 $0xFFFF8000  }
0x45: {  	[hbm4b:s14+s2] =	stream.linear.scatter [tilespmem:s12], [sflag:$0x3], $0x8000, $0x38;
	[tilespmem:$0x16400] =	vst v63  }
0x46: {  	_ =	swait.ge [sflag:s28], $0x8000  }
0x47: {  	[sflag:s28] =	ssyncset.done $0x0  }
0x48: {  	[sflag:s28] =	ssyncadd.s32 $0xFFFF8000  }
0x49: {  	[hbm4b:s0+s2] =	stream.linear.scatter [tilespmem:s19], [sflag:$0x4], $0x8000, $0x38;
	[tilespmem:$0x16400] =	vst v63  }
0x4a: {  	_ =	swait.ge [sflag:s29], $0x8000  }
0x4b: {  	s16 =	sshra.s32 s16, $0x2;
	[sflag:s29] =	ssyncset.done $0x0  }
0x4c: {  	s18 =	sadd.s32 $0x400, s16;
	[sflag:s29] =	ssyncadd.s32 $0xFFFF8000  }
0x4d: {  	[tilespmem:s12], [sflag:$0x1] =	stream.indirect.gather [hbm4b:s3+s11], $0x40, s18, s11, $0xb8;
	[tilespmem:$0x16400] =	vst v63  }
0x4e: {  	s18 =	sadd.s32 $0x480, s16  }
0x4f: {  	[tilespmem:s13], [sflag:$0x1] =	stream.indirect.gather [hbm4b:s3+s11], $0x40, s18, s11, $0xb8;
	[tilespmem:$0x16400] =	vst v63  }
0x50: {  	s18 =	sadd.s32 $0x500, s16  }
0x51: {  	[tilespmem:s15], [sflag:$0x1] =	stream.indirect.gather [hbm4b:s3+s11], $0x40, s18, s11, $0xb8;
	[tilespmem:$0x16400] =	vst v63  }
0x52: {  	s18 =	sadd.s32 $0x580, s16  }
0x53: {  	[tilespmem:s17], [sflag:$0x1] =	stream.indirect.gather [hbm4b:s3+s11], $0x40, s18, s11, $0xb8;
	[tilespmem:$0x16400] =	vst v63  }
0x54: {  	_ =	swait.ge [sflag:s30], $0x8000  }
0x55: {  	[sflag:s30] =	ssyncset.done $0x0  }
0x56: {  	s18 =	sadd.s32 $0x600, s16;
	[sflag:s30] =	ssyncadd.s32 $0xFFFF8000  }
0x57: {  	[tilespmem:s19], [sflag:$0x2] =	stream.indirect.gather [hbm4b:s3+s11], $0x40, s18, s11, $0xb8;
	[tilespmem:$0x16400] =	vst v63  }
.Ltmp0:
0x58: {  	s18 =	sadd.s32 $0x680, s16;
	(pc) =	sbr.rel @p0 .LBB2_2-.Ltmp0, $4  }
0x59: {  	[tilespmem:s21], [sflag:$0x2] =	stream.indirect.gather [hbm4b:s3+s11], $0x40, s18, s11, $0xb8;
	[tilespmem:$0x16400] =	vst v63  }
0x5a: {  	s18 =	sadd.s32 $0x700, s16  }
0x5b: {  	[tilespmem:s23], [sflag:$0x2] =	stream.indirect.gather [hbm4b:s3+s11], $0x40, s18, s11, $0xb8;
	[tilespmem:$0x16400] =	vst v63  }
0x5c: {  	s14 =	sadd.s32 $0x2000, s14;
	s0 =	sadd.s32 $0x2000, s0;
	s16 =	sadd.s32 $0x780, s16  }
0x5d: {  	[tilespmem:s25], [sflag:$0x2] =	stream.indirect.gather [hbm4b:s3+s11], $0x40, s16, s11, $0xb8;
	[tilespmem:$0x16400] =	vst v63  }
0x5e: {  	_ =	swait.ge [sflag:s26], $0x8000  }
0x5f: {  	[sflag:s26] =	ssyncset.done $0x0  }
0x60: {  	[sflag:s26] =	ssyncadd.s32 $0xFFFF8000  }
0x61: {  	[hbm4b:s5+s2] =	stream.linear.scatter [tilespmem:s12], [sflag:$0x3], $0x8000, $0x38;
	[tilespmem:$0x16400] =	vst v63  }
0x62: {  	_ =	swait.ge [sflag:s28], $0x8000  }
0x63: {  	[sflag:s28] =	ssyncset.done $0x0  }
0x64: {  	s31 =	sadd.s32 $0x1, s31;
	[sflag:s28] =	ssyncadd.s32 $0xFFFF8000  }
0x65: {  	[hbm4b:s6+s2] =	stream.linear.scatter [tilespmem:s19], [sflag:$0x4], $0x8000, $0x38;
	[tilespmem:$0x16400] =	vst v63  }
0x66: {  	p0 =	sne.s32 s31, s7;
	_ =	swait.ge [sflag:s29], $0x8000  }
.Ltmp1:
0x67: {  	[sflag:s29] =	ssyncset.done $0x0;
	(pc) =	sbr.rel @p0 .LBB2_1-.Ltmp1, $4  }
0x68: {  	[sflag:s29] =	ssyncadd.s32 $0xFFFF8000  }
0x69: {  	_ =	swait.ge [sflag:s30], $0x8000  }
0x6a: {  	[sflag:s30] =	ssyncset.done $0x0  }
0x6b: {  	[sflag:s30] =	ssyncadd.s32 $0xFFFF8000  }
0x6c: {  	_ =	sfence.sel $0x180000  }
0x6d: {  	[bflag:$0x0] =	sbarrier.arrive $0xFFFF  }
0x6e: {  	_ =	strace $0x90000047  }
0x6f: {  	s0 =	stileid.u32;
	[bflag:$0x2] =	sbarrier.arrive $0xFFFF  }
0x70: {  	p0 =	sne.s32 s0, $0x0;
	s0 =	rddreg [dreg:$0x2]  }
0x71: {  	s0 =	sadd.s32 @!p0 $0x100000, s0  }
0x72: {  	[sflag:s0] =	ssyncadd.tile.s32 @!p0 $0x1;
	_ =	shalt  }
.Lfunc_end2:
_tile_overlayer_lowered:
.L_overlay_start_2:
0x73: {  	(tag) =	ssettag $0x2  }
0x74: {  	s0 =	rddreg [dreg:$0x0];
	s2 =	stileid.u32  }
0x75: {  	s1 =	rddreg [dreg:$0x1];
	p0 =	sne.s32 s2, $0x0  }
0x76: {  	s3 =	rddreg [dreg:$0x2];
	[bflag:$0x3] =	sbarrier.arrive $0xFFFF;
	s2 =	simm.s32 @!p0 $0x1C05  }
0x77: {  	[timem:s3], [sflag:s2] =	dma.local @!p0 [hbm:s0], s1  }
0x78: {  	s0 =	simm.s32 @!p0 $0x5  }
0x79: {  	_ =	swait.ge @!p0 [sflag:s0], s1  }
0x7a: {  	s1 =	ssub.s32 @!p0 $0x0, s1;
	[sflag:s0] =	ssyncset.done @!p0 $0x0  }
0x7b: {  	[sflag:s0] =	ssyncadd.s32 @!p0 s1  }
0x7c: {  	[bflag:$0x3] =	sbarrier.arrive $0xFFFF  }
0x7d: {  	_ =	shalt  }

// kernel: sparse-core-data-format-call.cloned.1.call-start
scs
called_computation_lowered:
.L_overlay_start_0:
0x0: {  	s2 =	sld [smem:$0x3FD9]  }
0x1: {  	s3 =	sld [smem:$0x3FFE];
	_ =	sdelay $0x1  }
0x2: {  	s1 =	srdreg.scid  }
0x3: {  	s0 =	sand.u32 $0x1, s1  }
0x4: {  	s18 =	sshll.u32 s0, $0xA;
	s2 =	sadd.s32 s3, s2  }
0x5: {  	s2 =	sadd.s32 s2, s18  }
0x6: {  	[smem:$0x3FC6] =	sst s2  }
0x7: {  	_ = 	snop  }
0x8: {  	s2 =	sld [smem:$0x3FD0];
	(tm) =	ssettm $0x1  }
0x9: {  	s19 =	sld [smem:$0x3FFB];
	_ =	sdelay $0x3  }
0xa: {  	_ =	strace s19  }
0xb: {  	s3 =	sld [smem:$0x3FFC];
	_ =	sdelay $0x3  }
0xc: {  	_ =	strace s3  }
0xd: {  	s3 =	sld [smem:$0x3FFD];
	_ =	sdelay $0x3  }
0xe: {  	_ =	strace s3  }
0xf: {  	_ =	strace $0x8FFFFFFF  }
0x10: {  	s20 =	sld [smem:$0x3FDB];
	_ =	sdelay $0x1  }
0x11: {  	s4 =	simm.s32 $_scs_section_size  }
0x12: {  	s5 =	simm.s32 $_size__tile_overlayer_lowered;
	s6 =	simm.s32 $_tile_overlayer_lowered  }
0x13: {  	s23 =	simm.s32 $0x1BFF;
	s22 =	sshll.u32 s6, $0x1;
	s3 =	sadd.s32 s4, s20  }
0x14: {  	s7 =	simm.s32 $0x0;
	s21 =	sshll.u32 s5, $0x1;
	s5 =	sadd.s32 s22, s3  }
0x15: {  	[timem:s7], [sflag:s23] =	dma.local [hbm:s5], s21  }
0x16: {  	_ =	swait.ge [sflag:s23], s21  }
0x17: {  	s4 =	ssub.s32 $0x0, s21;
	[sflag:s23] =	ssyncset.done $0x0  }
0x18: {  	[sflag:s23] =	ssyncadd.s32 s4;
	_ =	sdelay $0x1  }
0x19: {  	s24 =	simm.s32 $0x1B8B  }
0x1a: {  	_ =	swait.ge [sflag:s24], $0x1  }
0x1b: {  	[sflag:s24] =	ssyncset.done $0x0  }
0x1c: {  	s26 =	simm.s32 $0x1B8E;
	s25 =	sld [smem:$0x3FFE];
	[sflag:s24] =	ssyncadd.s32 $0xFFFFFFFF  }
0x1d: {  	s27 =	simm.s32 $execute0_lowered;
	[smem:$0x3FD2] =	sst s26  }
0x1e: {  	s5 =	sshll.u32 s27, $0x1;
	_ =	strace $0x80000049;
	[dreg:$0x1] =	wrdreg $0xFFFFFFFF  }
0x1f: {  	s28 =	simm.s32 $_size_execute0_lowered;
	s3 =	sadd.s32 s3, s5;
	[dreg:$0x0] =	wrdreg $0x0  }
0x20: {  	s5 =	sshll.u32 s28, $0x1;
	[dreg:$0x2] =	wrdreg s3  }
0x21: {  	[dreg:$0x3] =	wrdreg s5  }
0x22: {  	[dreg:$0x4] =	wrdreg $0xC0  }
0x23: {  	_ =	task [dreg:s7], $0x5FFFF  }
0x24: {  	[dreg:$0x1] =	wrdreg $0xFFFFFFFF  }
0x25: {  	[dreg:$0x0] =	wrdreg $0x60  }
0x26: {  	[dreg:$0x2] =	wrdreg s25  }
0x27: {  	[dreg:$0x3] =	wrdreg s2  }
0x28: {  	[dreg:$0x4] =	wrdreg $0x9  }
0x29: {  	_ =	task.clear_ibuf [dreg:s7], $0x5FFFF;
	_ =	strace $0x90000049  }
0x2a: {  	s29 =	simm.s32 $0x9;
	_ =	strace $0x8000004B  }
0x2b: {  	_ =	swait.ge [sflag:s29], $0x1  }
0x2c: {  	[sflag:s29] =	ssyncadd.s32 $0xFFFFFFFF  }
0x2d: {  	_ =	strace $0x9000004B  }
0x2e: {  	_ =	sfence  }
0x2f: {  	s30 =	sld [smem:$0x0];
	_ =	sdelay $0x2  }
0x30: {  	s31 =	sshll.u32 s1, $0xD;
	s1 =	sshrl.u32 s1, $0x2  }
0x31: {  	s3 =	sand.u32 $0x4000, s31;
	s1 =	sadd.s32 s1, s30  }
0x32: {  	s0 =	sor.u32 s3, s0;
	s1 =	sshll.u32 s1, $0x11  }
0x33: {  	s0 =	sor.u32 s1, s0  }
0x34: {  	s0 =	sadd.s32 $0x8F2B, s0  }
0x35: {  	[sflag:s0] =	ssyncadd.remote.s32 $0x1  }
0x36: {  	_ =	sfence.sel $0xFFFF  }
0x37: {  	[dreg:$0x0] =	wrdreg $0xFFFFFFFF;
	(pc) =	sbr.abs _section_cstart, $3  }
0x38: {  	[dreg:$0x1] =	wrdreg $0xFFFFFFFF  }
0x39: {  	_ =	task.clear_ibuf [dreg:s7], $0x2FFFF;
	_ =	strace $0x9FFFFFFF  }
0x3a: {  	(tm) =	ssettm $0x7FFFFFFF  }
0x3b: {  	_ =	shalt  }
tec
execute0_lowered:
.L_overlay_start_1:
0x0: {  	(tag) =	ssettag $0x1  }
0x1: {  	s0 =	srdreg.scid  }
0x2: {  	s1 =	sshll.u32 s0, $0x4  }
0x3: {  	s5 =	rddreg [dreg:$0x0];
	s0 =	stileid.u32;
	s1 =	sand.u32 $0x10, s1  }
0x4: {  	s3 =	rddreg [dreg:$0x1];
	s31 =	simm.s32 $0x2;
	s4 =	sor.u32 s0, s1  }
0x5: {  	s13 =	simm.s32 $0x0;
	s9 =	simm.s32 $0x400;
	s2 =	sshll.u32 s4, $0x7  }
0x6: {  	s10 =	simm.s32 $0x8000;
	s14 =	simm.s32 $0x0;
	s6 =	ssub.s32 $0x1000, s2  }
0x7: {  	s1 =	rddreg [dreg:$0x2];
	_ =	strace $0x8000004A;
	s7 =	sand.u32 $0xF80, s6  }
0x8: {  	s4 =	sshll.u32 s4, $0xB;
	p0 =	sne.s32 s7, $0x0;
	s7 =	simm.s32 $0x1  }
.Ltmp0:
0x9: {  	s6 =	sshrl.u32 s6, $0xC;
	s7 =	simm.s32 @!p0 $0x0;
	(pc) =	sbr.rel .LBB1_1-.Ltmp0, $4  }
0xa: {  	s8 =	sadd.s32 s4, s5;
	s4 =	simm.s32 $0x1;
	s30 =	sadd.s32 s7, s6  }
0xb: {  	s11 =	simm.s32 $0x0;
	[sflag:s4] =	ssyncpa.u1 $0x0;
	s5 =	smul.u32 $0x64, s30  }
0xc: {  	s12 =	simm.s32 $0x0;
	[sflag:s31] =	ssyncpa.u1 $0x0;
	p0 =	por $0x0, $0x0  }
0xd: {  	s6 =	sadd.s32 $0xA00, s8;
	s7 =	sadd.s32 $0x10A00, s8;
	s8 =	sor.u32 $0x1, s5  }
.LBB1_7:
0xe: {  	s15 =	sadd.s32 $0x2, s11  }
0xf: {  	p2 =	sgt.s32 s15, $0xC7  }
0x10: {  	s15 =	simm.s32 @p2 $0x0;
	p2 =	sne.s32 s12, s8  }
.Ltmp1:
0x11: {  	p1 =	slt.u32 s12, $0x2;
	(pc) =	sbr.rel @!p2 .LBB1_8-.Ltmp1, $4  }
0x12: {  	s13 =	simm.s32 @!p1 $0x2  }
0x13: {  	s16 =	sadd.s32 $0x1, s12;
	s14 =	smov.u32 s11;
	_ =	swait.ge @!p1 [sflag:s13], $0x4000  }
0x14: {  	p0 =	por !p0, !p0;
	s12 =	smov.u32 s16;
	[sflag:s13] =	ssyncset.done @!p1 $0x0  }
0x15: {  	s11 =	smov.u32 s15;
	[sflag:s13] =	ssyncadd.s32 @!p1 $0xFFFFC000;
	s13 =	smov.u32 s2  }
.LBB1_1:
0x16: {  	p1 =	sge.u32 s12, s5  }
0x17: {  	s15 =	sxor.u32 @!p1 $0xFFFFFFFF, s12  }
0x18: {  	s16 =	sshll.u32 @!p1 s11, $0x10;
	s18 =	simm.s32 @!p1 $0x40;
	s15 =	sshll.u32 @!p1 s15, $0xE  }
0x19: {  	s19 =	simm.s32 @!p1 $0x80;
	s17 =	sadd.s32 @!p1 s16, s6;
	s15 =	sand.u32 @!p1 $0x4000, s15  }
0x1a: {  	[tilespmem:s15], [sflag:$0x1] =	stream.strided.gather @!p1 [hbm4b:s17+s18], $0x2000, s19, s18, $0x38;
	[tilespmem:$0x10100] =	vst v63  }
0x1b: {  	s31 =	sadd.s32 $0xFFFFFFFF, s12;
	s16 =	sadd.s32 @!p1 s16, s7;
	s15 =	sor.u32 @!p1 $0x2000, s15  }
0x1c: {  	[tilespmem:s15], [sflag:$0x1] =	stream.strided.gather @!p1 [hbm4b:s16+s18], $0x2000, s19, s18, $0x38;
	[tilespmem:$0x10100] =	vst v63  }
0x1d: {  	p1 =	sge.u32 s31, s5  }
.Ltmp2:
0x1e: {  	_ = 	snop;
	(pc) =	sbr.rel @p1 .LBB1_7-.Ltmp2, $1  }
0x1f: {  	_ =	sdelay $0x3  }
0x20: {  	s15 =	simm.s32 $0x1;
	s17 =	sand.u32 $0x1, s12  }
0x21: {  	_ =	swait.ge [sflag:s4], $0x4000;
	s15 =	simm.s32 @!p0 $0x0;
	s17 =	smul.u32 $0x10200, s17  }
0x22: {  	p2 =	por $0x1, $0x1;
	[sflag:s4] =	ssyncset.done $0x0;
	s16 =	smul.u32 $0x10200, s15  }
0x23: {  	s18 =	sshll.u32 s15, $0x10;
	[sflag:s4] =	ssyncadd.s32 $0xFFFFC000;
	s30 =	sshrl.u32 s17, $0x2  }
0x24: {  	s31 =	sshrl.u32 s18, $0x2;
	s18 =	simm.s32 $0x0;
	s16 =	sshrl.u32 s16, $0x2  }
0x25: {  	s15 =	sor.u32 $0x8000, s30;
	s17 =	sadd.s32 $0x20, s31;
	s16 =	sor.u32 $0x8000, s16  }
.LBB1_3:
0x26: {  	s19 =	sshll.u32 s18, $0xD  }
0x27: {  	s19 =	sand.u32 $0x3FFFE000, s19  }
0x28: {  	s21 =	sadd.s32 s19, s17  }
0x29: {  	s31 =	smul.u32 $0x8100, s18;
	v3 =	vld [tilespmem:s21+$0x10]  }
0x2a: {  	v1 =	vld [tilespmem:s21+$0xFFFFFFF0]  }
0x2b: {  	s18 =	sshra.s32 s31, $0x2;
	v0 =	vld [tilespmem:s21+$0x0]  }
0x2c: {  	s18 =	sadd.s32 s18, s16;
	v2 =	vld [tilespmem:s21+$0xFFFFFFE0]  }
0x2d: {  	s19 =	sadd.s32 $0x0, s18  }
0x2e: {  	p1 =	por p2, p2;
	s20 =	simm.s32 $0x4;
	s21 =	sadd.s32 $0x40, s21;
	[tilespmem:s19+$0x1830 ss:$0x81] =	vst.msk $0xffff, v3  }
.LBB1_4:
0x2f: {  	v3 =	vld [tilespmem:s21+$0x10];
	p2 =	sne.s32 s20, $0x1FC;
	[tilespmem:s19+$0x810 ss:$0x81] =	vst.msk $0xffff, v1;
	s22 =	smov.u32 s20;
	s20 =	sadd.s32 $0x4, s20  }
.Ltmp3:
0x30: {  	v1 =	vld [tilespmem:s21+$0xFFFFFFF0];
	[tilespmem:s19+$0x1020 ss:$0x81] =	vst.msk $0xffff, v0;
	(pc) =	sbr.rel @p2 .LBB1_4-.Ltmp3, $4  }
0x31: {  	v0 =	vld [tilespmem:s21+$0x0];
	[tilespmem:s19+$0x0 ss:$0x81] =	vst.msk $0xffff, v2  }
0x32: {  	s19 =	sshra.s32 s22, $0x2;
	v2 =	vld [tilespmem:s21+$0xFFFFFFE0]  }
0x33: {  	s19 =	sadd.s32 s19, s18  }
0x34: {  	s21 =	sadd.s32 $0x40, s21;
	[tilespmem:s19+$0x1830 ss:$0x81] =	vst.msk $0xffff, v3  }
.Ltmp4:
0x35: {  	(pc) =	sbr.rel @p1 .LBB1_3-.Ltmp4, $4  }
0x36: {  	_ = 	snop  }
0x37: {  	[tilespmem:s19+$0x810 ss:$0x81] =	vst.msk $0xffff, v1  }
0x38: {  	[tilespmem:s19+$0x1020 ss:$0x81] =	vst.msk $0xffff, v0  }
0x39: {  	s18 =	simm.s32 $0x1;
	p2 =	por $0x0, $0x0;
	[tilespmem:s19+$0x0 ss:$0x81] =	vst.msk $0xffff, v2  }
.Ltmp5:
0x3a: {  	(pc) =	sbr.rel .LBB1_7-.Ltmp5, $4  }
0x3b: {  	s14 =	sshll.u32 s14, $0xF  }
0x3c: {  	s14 =	sadd.s32 s3, s14  }
0x3d: {  	s13 =	sadd.s32 s13, s14  }
0x3e: {  	[hbm4b:s13+s9] =	stream.strided.scatter [tilespmem:s15], [sflag:$0x2], $0x4000, s10, s9, $0x20;
	[tilespmem:$0x10100] =	vst v63  }
.LBB1_8:
0x3f: {  	_ =	sfence.sel $0x180000  }
0x40: {  	s2 =	simm.s32 $0x1;
	[bflag:$0x0] =	sbarrier.arrive $0xFFFF  }
0x41: {  	s31 =	simm.s32 $0x2;
	[sflag:s2] =	ssyncpa.u1 $0x1  }
0x42: {  	[sflag:s31] =	ssyncpa.u1 $0x1  }
0x43: {  	p0 =	sne.s32 s0, $0x0;
	_ =	strace $0x9000004A  }
0x44: {  	s0 =	sadd.s32 @!p0 $0x100000, s1;
	[bflag:$0x2] =	sbarrier.arrive $0xFFFF  }
0x45: {  	[sflag:s0] =	ssyncadd.tile.s32 @!p0 $0x1;
	_ =	shalt  }
.Lfunc_end1:
_tile_overlayer_lowered:
.L_overlay_start_2:
0x46: {  	(tag) =	ssettag $0x2  }
0x47: {  	s0 =	rddreg [dreg:$0x0];
	s2 =	stileid.u32  }
0x48: {  	s1 =	rddreg [dreg:$0x1];
	p0 =	sne.s32 s2, $0x0  }
0x49: {  	s3 =	rddreg [dreg:$0x2];
	[bflag:$0x3] =	sbarrier.arrive $0xFFFF;
	s2 =	simm.s32 @!p0 $0x1C01  }
0x4a: {  	[timem:s3], [sflag:s2] =	dma.local @!p0 [hbm:s0], s1  }
0x4b: {  	s0 =	simm.s32 @!p0 $0x1  }
0x4c: {  	_ =	swait.ge @!p0 [sflag:s0], s1  }
0x4d: {  	s1 =	ssub.s32 @!p0 $0x0, s1;
	[sflag:s0] =	ssyncset.done @!p0 $0x0  }
0x4e: {  	[sflag:s0] =	ssyncadd.s32 @!p0 s1  }
0x4f: {  	[bflag:$0x3] =	sbarrier.arrive $0xFFFF  }
0x50: {  	_ =	shalt  }

</sc_bundles>
